<compile_context>
chip_gen: v7x
topology: tpu7x:2x2x1
jax: 0.10.2.dev20260603
libtpu: 0.0.44.dev20260713+nightly
codegen_flags: <defaults>
</compile_context>

<pallas_src>
import functools

import jax
import jax.numpy as jnp
from jax import lax
from jax.experimental import pallas as pl
from jax.experimental.pallas import tpu as pltpu
from jax.experimental.pallas import tpu_sc as plsc

DIM = 128
NF = 128
NEF = 16
N = 10000
E = 320000
B = 256

_RB = 1000


def _lin0_body(x_ref, w_ref, b_ref, o_ref):
    y = jnp.dot(x_ref[...], w_ref[...], preferred_element_type=jnp.float32)
    o_ref[...] = jnp.maximum(y + b_ref[...][None, :], 0.0)


def _lin0(x_cat, W, b):
    nb = (2 * N) // _RB
    return pl.pallas_call(
        _lin0_body,
        grid=(nb,),
        in_specs=[
            pl.BlockSpec((_RB, NF), lambda i: (i, 0)),
            pl.BlockSpec((NF, DIM), lambda i: (0, 0)),
            pl.BlockSpec((DIM,), lambda i: (0,)),
        ],
        out_specs=pl.BlockSpec((_RB, DIM), lambda i: (i, 0)),
        out_shape=jax.ShapeDtypeStruct((2 * N, DIM), jnp.float32),
    )(x_cat, W, b)


_REB = 4000


def _eatr_body(a_ref, w_ref, b_ref, o_ref):
    y = jnp.dot(a_ref[...], w_ref[...], preferred_element_type=jnp.float32)
    o_ref[...] = y + b_ref[...][None, :]


def _eatr(ea_cat, W, b):
    nb = (2 * E) // _REB
    return pl.pallas_call(
        _eatr_body,
        grid=(nb,),
        in_specs=[
            pl.BlockSpec((_REB, NEF), lambda i: (i, 0)),
            pl.BlockSpec((NEF, DIM), lambda i: (0, 0)),
            pl.BlockSpec((DIM,), lambda i: (0,)),
        ],
        out_specs=pl.BlockSpec((_REB, DIM), lambda i: (i, 0)),
        out_shape=jax.ShapeDtypeStruct((2 * E, DIM), jnp.float32),
    )(ea_cat, W, b)


_CH = 64
_NSUB = 16
_EPT = E // _NSUB
_NCHUNK = -(-_EPT // _CH) + 0
_CPS = _NCHUNK + 1
_NA = N + 8
_RPS = 624
_ZR = 208
_ZTAIL = _NA - _NSUB * _RPS
_OTAIL = N - _NSUB * _RPS


def _edge_body(x_hbm, ea_hbm, ei_hbm, z_hbm, out_hbm,
               idx0, idx1, ea0, ea1, xr0, xr1, agg_sh,
               sem_i0, sem_i1, sem_e0, sem_e1, sem_g0, sem_g1):
    c = lax.axis_index("c")
    s = lax.axis_index("s")
    idx = (idx0, idx1)
    ea = (ea0, ea1)
    xr = (xr0, xr1)
    sem_i = (sem_i0, sem_i1)
    sem_e = (sem_e0, sem_e1)
    sem_g = (sem_g0, sem_g1)

    def zero_body(i, carry):
        r0 = s * _RPS + i * _ZR
        pltpu.sync_copy(z_hbm.at[pl.ds(r0, _ZR)], agg_sh.at[pl.ds(r0, _ZR)])
        return carry

    lax.fori_loop(0, _RPS // _ZR, zero_body, 0)

    @pl.when(s == _NSUB - 1)
    def _():
        pltpu.sync_copy(z_hbm.at[pl.ds(_NSUB * _RPS, _ZTAIL)],
                        agg_sh.at[pl.ds(_NSUB * _RPS, _ZTAIL)])

    plsc.subcore_barrier()

    cbase = (c * _NSUB + s) * _CPS
    ea_off = c * E + s * _EPT

    def issue_idx(g, b):
        pltpu.async_copy(ei_hbm.at[cbase + g], idx[b], sem_i[b])

    def wait_idx(b):
        pltpu.make_async_copy(ei_hbm.at[0], idx[b], sem_i[b]).wait()

    def issue_data(g, b):
        eoff = ea_off + lax.min(g * _CH, _EPT - _CH)
        pltpu.async_copy(ea_hbm.at[pl.ds(eoff, _CH)],
                         ea[b], sem_e[b])
        pltpu.async_copy(x_hbm.at[idx[b].at[0]], xr[b], sem_g[b])

    def wait_data(b):
        pltpu.make_async_copy(ea_hbm.at[pl.ds(0, _CH)], ea[b], sem_e[b]).wait()
        pltpu.make_async_copy(x_hbm.at[pl.ds(0, _CH)], xr[b], sem_g[b]).wait()

    def compute(b):
        eb, xb = ea[b], xr[b]

        @plsc.parallel_loop(0, _CH, unroll=4)
        def row(r):
            for k in range(DIM // 16):
                sl = pl.ds(k * 16, 16)
                eb[r, sl] = jnp.maximum(eb[r, sl] + xb[r, sl], 0.0)

    def scatter(b):
        pltpu.sync_copy(ea[b], agg_sh.at[idx[b].at[1]], add=True)

    issue_idx(0, 0)
    issue_idx(1, 1)
    wait_idx(0)
    issue_data(0, 0)

    def body(g, b):
        nb = 1 - b
        wait_idx(nb)
        issue_data(g + 1, nb)
        wait_data(b)
        compute(b)
        scatter(b)
        issue_idx(g + 2, b)

    def loop2(i, carry):
        body(2 * i, 0)
        body(2 * i + 1, 1)
        return carry

    lax.fori_loop(0, (_NCHUNK - 1) // 2, loop2, 0)

    wait_data(0)
    compute(0)
    scatter(0)
    wait_idx(1)

    plsc.subcore_barrier()

    def out_body(i, carry):
        r0 = s * _RPS + i * _ZR
        pltpu.sync_copy(agg_sh.at[pl.ds(r0, _ZR)],
                        out_hbm.at[pl.ds(c * N + r0, _ZR)])
        return carry

    lax.fori_loop(0, _RPS // _ZR, out_body, 0)

    @pl.when(s == _NSUB - 1)
    def _():
        pltpu.sync_copy(agg_sh.at[pl.ds(_NSUB * _RPS, _OTAIL)],
                        out_hbm.at[pl.ds(c * N + _NSUB * _RPS, _OTAIL)])


@functools.cache
def _edge_pass_fn():
    return pl.kernel(
        _edge_body,
        out_type=jax.ShapeDtypeStruct((2 * N, DIM), jnp.float32),
        mesh=plsc.VectorSubcoreMesh(core_axis_name="c", subcore_axis_name="s"),
        scratch_types=[
            pltpu.VMEM((2, _CH), jnp.int32),
            pltpu.VMEM((2, _CH), jnp.int32),
            pltpu.VMEM((_CH, DIM), jnp.float32),
            pltpu.VMEM((_CH, DIM), jnp.float32),
            pltpu.VMEM((_CH, DIM), jnp.float32),
            pltpu.VMEM((_CH, DIM), jnp.float32),
            pltpu.VMEM_SHARED((_NA, DIM), jnp.float32),
            pltpu.SemaphoreType.DMA,
            pltpu.SemaphoreType.DMA,
            pltpu.SemaphoreType.DMA,
            pltpu.SemaphoreType.DMA,
            pltpu.SemaphoreType.DMA,
            pltpu.SemaphoreType.DMA,
        ],
    )


def _pack_indices(edge_index_1, edge_index_2):
    pads = _NCHUNK * _CH - _EPT
    blocks = []
    for bi, ei in ((0, edge_index_1), (1, edge_index_2)):
        src = ei[0].reshape(_NSUB, _EPT) + bi * N
        dst = ei[1].reshape(_NSUB, _EPT)
        src = jnp.concatenate(
            [src, jnp.full((_NSUB, pads), bi * N, jnp.int32)], axis=1)
        dst = jnp.concatenate(
            [dst, jnp.full((_NSUB, pads), N, jnp.int32)], axis=1)
        sd = jnp.stack([src.reshape(_NSUB, _NCHUNK, _CH),
                        dst.reshape(_NSUB, _NCHUNK, _CH)], axis=2)
        sd = jnp.concatenate(
            [sd, jnp.zeros((_NSUB, 1, 2, _CH), jnp.int32)], axis=1)
        blocks.append(sd.reshape(_NSUB * _CPS, 2, _CH))
    return jnp.concatenate(blocks, axis=0)


def _edge_pass(x_flat, ea_flat, ei_packed, zeros):
    return _edge_pass_fn()(x_flat, ea_flat, ei_packed, zeros)


def _gine_pool_body(x_ref, agg_ref, ids_ref, w1_ref, b1_ref, w2_ref, b2_ref,
                    o_ref):
    i = pl.program_id(1)
    h = x_ref[...] + agg_ref[...]
    t = jnp.dot(h, w1_ref[...], preferred_element_type=jnp.float32)
    t = jnp.maximum(t + b1_ref[...][None, :], 0.0)
    y = jnp.dot(t, w2_ref[...], preferred_element_type=jnp.float32)
    y = jnp.maximum(y + b2_ref[...][None, :], 0.0)
    ids = ids_ref[0, 0, :]
    oh = (lax.broadcasted_iota(jnp.int32, (B, _RB), 0) == ids[None, :])
    part = jnp.dot(oh.astype(jnp.float32), y,
                   preferred_element_type=jnp.float32,
                   precision=lax.Precision.HIGHEST)

    @pl.when(i == 0)
    def _():
        o_ref[...] = jnp.zeros_like(o_ref)

    o_ref[0] += part


def _gine_pool(x_flat, agg_flat, ids3, W1, b1, W2, b2):
    nb = N // _RB
    return pl.pallas_call(
        _gine_pool_body,
        grid=(2, nb),
        in_specs=[
            pl.BlockSpec((_RB, DIM), lambda g, i: (g * (N // _RB) + i, 0)),
            pl.BlockSpec((_RB, DIM), lambda g, i: (g * (N // _RB) + i, 0)),
            pl.BlockSpec((1, 1, _RB), lambda g, i: (g * (N // _RB) + i, 0, 0)),
            pl.BlockSpec((DIM, 2 * DIM), lambda g, i: (0, 0)),
            pl.BlockSpec((2 * DIM,), lambda g, i: (0,)),
            pl.BlockSpec((2 * DIM, DIM), lambda g, i: (0, 0)),
            pl.BlockSpec((DIM,), lambda g, i: (0,)),
        ],
        out_specs=pl.BlockSpec((1, B, DIM), lambda g, i: (g, 0, 0)),
        out_shape=jax.ShapeDtypeStruct((2, B, DIM), jnp.float32),
    )(x_flat, agg_flat, ids3, W1, b1, W2, b2)


def _head_body(p_ref, r1_ref, r2_ref, hint_ref, hintra_ref, t10_ref,
               wmtr_ref, bmtr_ref, wm1_ref, bm1_ref, wm2_ref, bm2_ref,
               wf1_ref, bf1_ref, wf2a_ref, wf2b_ref, bf2_ref,
               wf3_ref, bf3_ref, o_ref):
    x1 = p_ref[0] * r1_ref[...]
    x2 = p_ref[1] * r2_ref[...]
    rz = r2_ref[...] == 0.0
    node2 = jnp.where(rz, x1, x2)
    evl = jnp.where(rz, hintra_ref[...], hint_ref[...])
    bf = lambda v: v.astype(jnp.bfloat16).astype(jnp.float32)
    ea = bf(evl) * bf(wmtr_ref[...]) + bmtr_ref[...][None, :]

    he = x1 + jnp.maximum(node2 + ea, 0.0)
    ho = node2 + jnp.maximum(x1 + ea, 0.0)

    def mlp(h):
        t = jnp.dot(h, wm1_ref[...], preferred_element_type=jnp.float32)
        t = jnp.maximum(t + bm1_ref[...][None, :], 0.0)
        y = jnp.dot(t, wm2_ref[...], preferred_element_type=jnp.float32)
        return jnp.maximum(y + bm2_ref[...][None, :], 0.0)

    fp = mlp(he) + mlp(ho)
    t = jnp.dot(fp, wf1_ref[...], preferred_element_type=jnp.float32)
    t = jnp.maximum(t + bf1_ref[...][None, :], 0.0)
    u = jnp.dot(t, wf2a_ref[...], preferred_element_type=jnp.float32)
    u = u + t10_ref[...] * wf2b_ref[...]
    u = jnp.maximum(u + bf2_ref[...][None, :], 0.0)
    o_ref[...] = (jnp.dot(u, wf3_ref[...], preferred_element_type=jnp.float32)
                  + bf3_ref[...])


def _head(pooled, r1, r2, hint, hintra, t10,
          W_mtr, b_mtr, W_m1, b_m1, W_m2, b_m2,
          W_fc1, b_fc1, W_fc2a, w_fc2b, b_fc2, W_fc3, b_fc3):
    return pl.pallas_call(
        _head_body,
        out_shape=jax.ShapeDtypeStruct((B, 1), jnp.float32),
    )(pooled, r1, r2, hint, hintra, t10,
      W_mtr, b_mtr, W_m1, b_m1, W_m2, b_m2,
      W_fc1, b_fc1, W_fc2a, w_fc2b, b_fc2, W_fc3, b_fc3)


def kernel(x_1, edge_index_1, edge_attr_1, batch_1, T, ratio_1, h_inter,
           h_intra_1, x_2, edge_index_2, edge_attr_2, batch_2, ratio_2,
           W_lin0, b_lin0, W_tr, b_tr, W_g1, b_g1, W_g2, b_g2,
           W_mtr, b_mtr, W_m1, b_m1, W_m2, b_m2,
           W_fc1, b_fc1, W_fc2, b_fc2, W_fc3, b_fc3):
    x_cat = jnp.concatenate([x_1, x_2], axis=0)
    ea_cat = jnp.concatenate([edge_attr_1, edge_attr_2], axis=0)
    ei_packed = _pack_indices(edge_index_1, edge_index_2)
    zeros = jnp.zeros((_NA, DIM), jnp.float32)
    ids3 = jnp.concatenate([batch_1, batch_2]).reshape(2 * N // _RB, 1, _RB)

    x_flat = _lin0(x_cat, W_lin0, b_lin0)
    ea_flat = _eatr(ea_cat, W_tr, b_tr)
    agg_flat = _edge_pass(x_flat, ea_flat, ei_packed, zeros)
    pooled = _gine_pool(x_flat, agg_flat, ids3, W_g1, b_g1, W_g2, b_g2)

    col = lambda v: v.reshape(B, 1).astype(jnp.float32)
    out = _head(pooled, col(ratio_1), col(ratio_2), col(h_inter),
                col(h_intra_1), col(10.0 * T),
                W_mtr, b_mtr, W_m1, b_m1, W_m2, b_m2,
                W_fc1, b_fc1, W_fc2[:DIM], W_fc2[DIM:], b_fc2,
                W_fc3, b_fc3.reshape(1, 1))
    return out

# --- scband reference (transcript-rebuilt; emitter-appended) ---
"""Pipeline reference for scband-gnnreg-67336497266975 (READ-ONLY COPY).

The authoritative reference and input builder live on the scoring server;
editing this copy changes nothing except your own understanding.
"""

import jax, jax.numpy as jnp
import numpy as np

DIM = 128
NF = 128
NEF = 16
N = 10000
E = 320000
B = 256

def _lin(k, fi, fo):
    kw, kb = jax.random.split(k)
    s = 1.0 / np.sqrt(fi)
    W = jax.random.uniform(kw, (fi, fo), jnp.float32, -s, s)
    b = jax.random.uniform(kb, (fo,), jnp.float32, -s, s)
    return W, b

def setup_inputs(seed: int = 0):
    key = jax.random.key(seed)
    ks = jax.random.split(key, 32)
    inp = {}
    inp["x_1"] = jax.random.normal(ks[0], (N, NF), jnp.float32)
    inp["edge_index_1"] = jax.random.randint(ks[1], (2, E), 0, N, jnp.int32)
    inp["edge_attr_1"] = jax.random.normal(ks[2], (E, NEF), jnp.float32)
    inp["batch_1"] = jnp.sort(jax.random.randint(ks[3], (N,), 0, B, jnp.int32))
    inp["T"] = jax.random.uniform(ks[4], (B,), jnp.float32)
    inp["ratio_1"] = jax.random.uniform(ks[5], (B,), jnp.float32)
    inp["h_inter"] = jax.random.normal(ks[6], (B,), jnp.float32)
    inp["h_intra_1"] = jax.random.normal(ks[7], (B,), jnp.float32)
    inp["x_2"] = jax.random.normal(ks[8], (N, NF), jnp.float32)
    inp["edge_index_2"] = jax.random.randint(ks[9], (2, E), 0, N, jnp.int32)
    inp["edge_attr_2"] = jax.random.normal(ks[10], (E, NEF), jnp.float32)
    inp["batch_2"] = jnp.sort(jax.random.randint(ks[11], (N,), 0, B, jnp.int32))
    inp["ratio_2"] = jax.random.uniform(ks[12], (B,), jnp.float32)
    inp["W_lin0"], inp["b_lin0"] = _lin(ks[13], NF, DIM)
    inp["W_tr"], inp["b_tr"] = _lin(ks[14], NEF, DIM)
    inp["W_g1"], inp["b_g1"] = _lin(ks[15], DIM, 2 * DIM)
    inp["W_g2"], inp["b_g2"] = _lin(ks[16], 2 * DIM, DIM)
    inp["W_mtr"], inp["b_mtr"] = _lin(ks[17], 1, DIM)
    inp["W_m1"], inp["b_m1"] = _lin(ks[18], DIM, 2 * DIM)
    inp["W_m2"], inp["b_m2"] = _lin(ks[19], 2 * DIM, DIM)
    inp["W_fc1"], inp["b_fc1"] = _lin(ks[20], DIM, DIM)
    inp["W_fc2"], inp["b_fc2"] = _lin(ks[21], DIM + 1, DIM)
    inp["W_fc3"], inp["b_fc3"] = _lin(ks[22], DIM, 1)
    return inp

def _gine(x, src, dst, ea, W1, b1, W2, b2):
    # GINEConv (eps=0): nn(x + sum_{j->i} relu(x_j + e_ji))
    msg = jax.nn.relu(x[src] + ea)
    agg = jax.ops.segment_sum(msg, dst, num_segments=x.shape[0])
    h = x + agg
    return jax.nn.relu(h @ W1 + b1) @ W2 + b2

def reference(x_1, edge_index_1, edge_attr_1, batch_1, T, ratio_1, h_inter, h_intra_1,
              x_2, edge_index_2, edge_attr_2, batch_2, ratio_2,
              W_lin0, b_lin0, W_tr, b_tr, W_g1, b_g1, W_g2, b_g2,
              W_mtr, b_mtr, W_m1, b_m1, W_m2, b_m2,
              W_fc1, b_fc1, W_fc2, b_fc2, W_fc3, b_fc3):
    x1 = jax.nn.relu(x_1 @ W_lin0 + b_lin0)
    ea1 = edge_attr_1 @ W_tr + b_tr
    x1 = jax.nn.relu(_gine(x1, edge_index_1[0], edge_index_1[1], ea1, W_g1, b_g1, W_g2, b_g2))
    x1 = jax.ops.segment_sum(x1, batch_1, num_segments=B)
    x1 = x1 * ratio_1[:, None]
    x2 = jax.nn.relu(x_2 @ W_lin0 + b_lin0)
    ea2 = edge_attr_2 @ W_tr + b_tr
    x2 = jax.nn.relu(_gine(x2, edge_index_2[0], edge_index_2[1], ea2, W_g1, b_g1, W_g2, b_g2))
    x2 = jax.ops.segment_sum(x2, batch_2, num_segments=B)
    x2 = x2 * ratio_2[:, None]
    # construct_graph: per-sample 2-node mixture graph, vectorized
    rz = (ratio_2 == 0.0)
    node2 = jnp.where(rz[:, None], x1, x2)
    mix_x = jnp.stack([x1, node2], axis=1).reshape(2 * B, DIM)
    eval_ = jnp.where(rz, h_intra_1, h_inter)
    mix_ea = jnp.repeat(eval_, 2)[:, None] @ W_mtr + b_mtr
    base = 2 * jnp.arange(B)
    src = jnp.stack([base, base + 1], axis=1).reshape(-1)
    dst = jnp.stack([base + 1, base], axis=1).reshape(-1)
    x_glob = jax.nn.relu(_gine(mix_x, src, dst, mix_ea, W_m1, b_m1, W_m2, b_m2))
    mix_batch = jnp.repeat(jnp.arange(B), 2)
    fp = jax.ops.segment_sum(x_glob, mix_batch, num_segments=B)
    temp = 10.0 * T
    x = jax.nn.relu(fp @ W_fc1 + b_fc1)
    x = jnp.concatenate([x, temp.reshape(B, 1)], axis=1)
    x = jax.nn.relu(x @ W_fc2 + b_fc2)
    x = x @ W_fc3 + b_fc3
    return x

if __name__ == "__main__":
    import jax
    _d = setup_inputs()
    print(jax.jit(kernel)(*tuple(_d.values())))

</pallas_src>

<mosaic_0001>
#map = affine_map<(d0, d1) -> (0, 0)>
#map1 = affine_map<(d0, d1) -> (0, 0, 0)>
module attributes {stable_mosaic.version = 14 : i64} {
  func.func @_edge_body(%arg0: i32, %arg1: i32, %arg2: memref<20000x128xf32, #tpu.memory_space<hbm>>, %arg3: memref<640000x128xf32, #tpu.memory_space<hbm>>, %arg4: memref<10048x2x64xi32, #tpu.memory_space<hbm>>, %arg5: memref<10008x128xf32, #tpu.memory_space<hbm>>, %arg6: memref<20000x128xf32, #tpu.memory_space<hbm>>, %arg7: memref<2x64xi32, #tpu.memory_space<vmem>>, %arg8: memref<2x64xi32, #tpu.memory_space<vmem>>, %arg9: memref<64x128xf32, #tpu.memory_space<vmem>>, %arg10: memref<64x128xf32, #tpu.memory_space<vmem>>, %arg11: memref<64x128xf32, #tpu.memory_space<vmem>>, %arg12: memref<64x128xf32, #tpu.memory_space<vmem>>, %arg13: memref<10008x128xf32, #tpu.memory_space<vmem_shared>>, %arg14: memref<!tpu.dma_semaphore, #tpu.memory_space<semaphore_mem>>, %arg15: memref<!tpu.dma_semaphore, #tpu.memory_space<semaphore_mem>>, %arg16: memref<!tpu.dma_semaphore, #tpu.memory_space<semaphore_mem>>, %arg17: memref<!tpu.dma_semaphore, #tpu.memory_space<semaphore_mem>>, %arg18: memref<!tpu.dma_semaphore, #tpu.memory_space<semaphore_mem>>, %arg19: memref<!tpu.dma_semaphore, #tpu.memory_space<semaphore_mem>>) attributes {dimension_semantics = [#tpu.dimension_semantics<core_parallel>, #tpu.dimension_semantics<subcore_parallel>], iteration_bounds = array<i64: 2, 16>, scalar_prefetch = 0 : i64, scratch_operands = 13 : i64, tpu.core_type = #tpu.core_type<sc_vector_subcore>, window_params = [{transform_indices = #map}, {transform_indices = #map}, {transform_indices = #map1}, {transform_indices = #map}, {transform_indices = #map}]} {
    %scan3A = arith.constant 0 : i32
    %scan3A_0 = arith.constant 0 : i32
    %scan3A_1 = arith.constant 3 : i32
    %scan3A_2 = arith.addi %scan3A_0, %scan3A_1 : i32
    %scan3A_3 = arith.constant 1 : i32
    scf.for %scan3A_97 = %scan3A_0 to %scan3A_2 step %scan3A_3  : i32 {
      %mul3A_98 = arith.constant 624 : i32
      %mul3A_99 = arith.muli %arg1, %mul3A_98 : i32
      %mul3A_100 = arith.constant 208 : i32
      %mul3A_101 = arith.muli %scan3A_97, %mul3A_100 : i32
      %add3A_102 = arith.addi %mul3A_99, %mul3A_101 : i32
      "tpu.region"() ({
        %run_scoped3A_103 = tpu.sem_alloc : memref<!tpu.dma_semaphore, #tpu.memory_space<semaphore_mem>>
        %dma_start3A_104 = arith.constant 0 : i32
        %dma_start3A_105 = tpu.memref_slice %arg13[%add3A_102, %dma_start3A_104] : memref<10008x128xf32, #tpu.memory_space<vmem_shared>> -> memref<208x128xf32, #tpu.memory_space<vmem_shared>>
        %dma_start3A_106 = arith.constant 0 : i32
        %dma_start3A_107 = tpu.memref_slice %arg5[%add3A_102, %dma_start3A_106] : memref<10008x128xf32, #tpu.memory_space<hbm>> -> memref<208x128xf32, #tpu.memory_space<hbm>>
        tpu.enqueue_dma source(%dma_start3A_107 : memref<208x128xf32, #tpu.memory_space<hbm>>) target(%dma_start3A_105 : memref<208x128xf32, #tpu.memory_space<vmem_shared>>) target_semaphore(%run_scoped3A_103 : memref<!tpu.dma_semaphore, #tpu.memory_space<semaphore_mem>>)
        %dma_wait3A_108 = arith.constant 0 : i32
        %dma_wait3A_109 = tpu.memref_slice %arg13[%add3A_102, %dma_wait3A_108] : memref<10008x128xf32, #tpu.memory_space<vmem_shared>> -> memref<208x128xf32, #tpu.memory_space<vmem_shared>>
        %dma_wait3A_110 = arith.constant 0 : i32
        %dma_wait3A_111 = tpu.memref_slice %arg5[%add3A_102, %dma_wait3A_110] : memref<10008x128xf32, #tpu.memory_space<hbm>> -> memref<208x128xf32, #tpu.memory_space<hbm>>
        tpu.wait_dma2 semaphore(%run_scoped3A_103 : memref<!tpu.dma_semaphore, #tpu.memory_space<semaphore_mem>>) src(%dma_wait3A_111 : memref<208x128xf32, #tpu.memory_space<hbm>>) dst(%dma_wait3A_109 : memref<208x128xf32, #tpu.memory_space<vmem_shared>>)
        tpu.yield
      }) : () -> ()
    }
    %scan3A_4 = arith.constant 3 : i32
    %eq3A = arith.constant 15 : i32
    %eq3A_5 = arith.cmpi eq, %arg1, %eq3A : i32
    %convert_element_type3A = arith.extui %eq3A_5 : i1 to i32
    %cond3A = arith.constant 0 : i32
    %cond3A_6 = arith.cmpi ne, %convert_element_type3A, %cond3A : i32
    scf.if %cond3A_6 {
      "tpu.region"() ({
        %run_scoped3A_97 = tpu.sem_alloc : memref<!tpu.dma_semaphore, #tpu.memory_space<semaphore_mem>>
        %dma_start3A_98 = arith.constant 9984 : i32
        %dma_start3A_99 = arith.constant 0 : i32
        %dma_start3A_100 = tpu.memref_slice %arg13[%dma_start3A_98, %dma_start3A_99] : memref<10008x128xf32, #tpu.memory_space<vmem_shared>> -> memref<24x128xf32, #tpu.memory_space<vmem_shared>>
        %dma_start3A_101 = arith.constant 9984 : i32
        %dma_start3A_102 = arith.constant 0 : i32
        %dma_start3A_103 = tpu.memref_slice %arg5[%dma_start3A_101, %dma_start3A_102] : memref<10008x128xf32, #tpu.memory_space<hbm>> -> memref<24x128xf32, #tpu.memory_space<hbm>>
        tpu.enqueue_dma source(%dma_start3A_103 : memref<24x128xf32, #tpu.memory_space<hbm>>) target(%dma_start3A_100 : memref<24x128xf32, #tpu.memory_space<vmem_shared>>) target_semaphore(%run_scoped3A_97 : memref<!tpu.dma_semaphore, #tpu.memory_space<semaphore_mem>>)
        %dma_wait3A_104 = arith.constant 9984 : i32
        %dma_wait3A_105 = arith.constant 0 : i32
        %dma_wait3A_106 = tpu.memref_slice %arg13[%dma_wait3A_104, %dma_wait3A_105] : memref<10008x128xf32, #tpu.memory_space<vmem_shared>> -> memref<24x128xf32, #tpu.memory_space<vmem_shared>>
        %dma_wait3A_107 = arith.constant 9984 : i32
        %dma_wait3A_108 = arith.constant 0 : i32
        %dma_wait3A_109 = tpu.memref_slice %arg5[%dma_wait3A_107, %dma_wait3A_108] : memref<10008x128xf32, #tpu.memory_space<hbm>> -> memref<24x128xf32, #tpu.memory_space<hbm>>
        tpu.wait_dma2 semaphore(%run_scoped3A_97 : memref<!tpu.dma_semaphore, #tpu.memory_space<semaphore_mem>>) src(%dma_wait3A_109 : memref<24x128xf32, #tpu.memory_space<hbm>>) dst(%dma_wait3A_106 : memref<24x128xf32, #tpu.memory_space<vmem_shared>>)
        tpu.yield
      }) : () -> ()
    } else {
    }
    %barrier3A = arith.constant 0 : index
    tpu.barrier barrier_id(%barrier3A)
    %mul3A = arith.constant 16 : i32
    %mul3A_7 = arith.muli %arg0, %mul3A : i32
    %add3A = arith.addi %mul3A_7, %arg1 : i32
    %mul3A_8 = arith.constant 314 : i32
    %mul3A_9 = arith.muli %add3A, %mul3A_8 : i32
    %mul3A_10 = arith.constant 320000 : i32
    %mul3A_11 = arith.muli %arg0, %mul3A_10 : i32
    %mul3A_12 = arith.constant 20000 : i32
    %mul3A_13 = arith.muli %arg1, %mul3A_12 : i32
    %add3A_14 = arith.addi %mul3A_11, %mul3A_13 : i32
    %add3A_15 = arith.constant 0 : i32
    %add3A_16 = arith.addi %mul3A_9, %add3A_15 : i32
    %dma_start3A = arith.constant 0 : i32
    %dma_start3A_17 = arith.constant 0 : i32
    %dma_start3A_18 = tpu.memref_slice %arg4[%add3A_16, %dma_start3A, %dma_start3A_17] : memref<10048x2x64xi32, #tpu.memory_space<hbm>> -> memref<1x2x64xi32, #tpu.memory_space<hbm>>
    %dma_start3A_19 = tpu.memref_squeeze %dma_start3A_18 : memref<1x2x64xi32, #tpu.memory_space<hbm>> -> memref<2x64xi32, #tpu.memory_space<hbm>>
    %dma_start3A_20 = arith.constant 0 : i32
    %dma_start3A_21 = arith.constant 0 : i32
    %dma_start3A_22 = tpu.memref_slice %arg4[%add3A_16, %dma_start3A_20, %dma_start3A_21] : memref<10048x2x64xi32, #tpu.memory_space<hbm>> -> memref<1x2x64xi32, #tpu.memory_space<hbm>>
    %dma_start3A_23 = tpu.memref_squeeze %dma_start3A_22 : memref<1x2x64xi32, #tpu.memory_space<hbm>> -> memref<2x64xi32, #tpu.memory_space<hbm>>
    tpu.enqueue_dma source(%dma_start3A_23 : memref<2x64xi32, #tpu.memory_space<hbm>>) target(%arg7 : memref<2x64xi32, #tpu.memory_space<vmem>>) target_semaphore(%arg14 : memref<!tpu.dma_semaphore, #tpu.memory_space<semaphore_mem>>)
    %add3A_24 = arith.constant 1 : i32
    %add3A_25 = arith.addi %mul3A_9, %add3A_24 : i32
    %dma_start3A_26 = arith.constant 0 : i32
    %dma_start3A_27 = arith.constant 0 : i32
    %dma_start3A_28 = tpu.memref_slice %arg4[%add3A_25, %dma_start3A_26, %dma_start3A_27] : memref<10048x2x64xi32, #tpu.memory_space<hbm>> -> memref<1x2x64xi32, #tpu.memory_space<hbm>>
    %dma_start3A_29 = tpu.memref_squeeze %dma_start3A_28 : memref<1x2x64xi32, #tpu.memory_space<hbm>> -> memref<2x64xi32, #tpu.memory_space<hbm>>
    %dma_start3A_30 = arith.constant 0 : i32
    %dma_start3A_31 = arith.constant 0 : i32
    %dma_start3A_32 = tpu.memref_slice %arg4[%add3A_25, %dma_start3A_30, %dma_start3A_31] : memref<10048x2x64xi32, #tpu.memory_space<hbm>> -> memref<1x2x64xi32, #tpu.memory_space<hbm>>
    %dma_start3A_33 = tpu.memref_squeeze %dma_start3A_32 : memref<1x2x64xi32, #tpu.memory_space<hbm>> -> memref<2x64xi32, #tpu.memory_space<hbm>>
    tpu.enqueue_dma source(%dma_start3A_33 : memref<2x64xi32, #tpu.memory_space<hbm>>) target(%arg8 : memref<2x64xi32, #tpu.memory_space<vmem>>) target_semaphore(%arg15 : memref<!tpu.dma_semaphore, #tpu.memory_space<semaphore_mem>>)
    %dma_wait3A = arith.constant 0 : i32
    %dma_wait3A_34 = arith.constant 0 : i32
    %dma_wait3A_35 = arith.constant 0 : i32
    %dma_wait3A_36 = tpu.memref_slice %arg4[%dma_wait3A, %dma_wait3A_34, %dma_wait3A_35] : memref<10048x2x64xi32, #tpu.memory_space<hbm>> -> memref<1x2x64xi32, #tpu.memory_space<hbm>>
    %dma_wait3A_37 = tpu.memref_squeeze %dma_wait3A_36 : memref<1x2x64xi32, #tpu.memory_space<hbm>> -> memref<2x64xi32, #tpu.memory_space<hbm>>
    %dma_wait3A_38 = arith.constant 0 : i32
    %dma_wait3A_39 = arith.constant 0 : i32
    %dma_wait3A_40 = tpu.memref_slice %arg4[%dma_wait3A, %dma_wait3A_38, %dma_wait3A_39] : memref<10048x2x64xi32, #tpu.memory_space<hbm>> -> memref<1x2x64xi32, #tpu.memory_space<hbm>>
    %dma_wait3A_41 = tpu.memref_squeeze %dma_wait3A_40 : memref<1x2x64xi32, #tpu.memory_space<hbm>> -> memref<2x64xi32, #tpu.memory_space<hbm>>
    tpu.wait_dma2 semaphore(%arg14 : memref<!tpu.dma_semaphore, #tpu.memory_space<semaphore_mem>>) src(%dma_wait3A_41 : memref<2x64xi32, #tpu.memory_space<hbm>>) dst(%arg7 : memref<2x64xi32, #tpu.memory_space<vmem>>)
    %min3A = arith.constant 0 : i32
    %min3A_42 = arith.constant 19936 : i32
    %min3A_43 = arith.minsi %min3A, %min3A_42 : i32
    %add3A_44 = arith.addi %add3A_14, %min3A_43 : i32
    %dma_start3A_45 = arith.constant 0 : i32
    %dma_start3A_46 = tpu.memref_slice %arg3[%add3A_44, %dma_start3A_45] : memref<640000x128xf32, #tpu.memory_space<hbm>> -> memref<64x128xf32, #tpu.memory_space<hbm>>
    %dma_start3A_47 = arith.constant 0 : i32
    %dma_start3A_48 = tpu.memref_slice %arg3[%add3A_44, %dma_start3A_47] : memref<640000x128xf32, #tpu.memory_space<hbm>> -> memref<64x128xf32, #tpu.memory_space<hbm>>
    tpu.enqueue_dma source(%dma_start3A_48 : memref<64x128xf32, #tpu.memory_space<hbm>>) target(%arg9 : memref<64x128xf32, #tpu.memory_space<vmem>>) target_semaphore(%arg16 : memref<!tpu.dma_semaphore, #tpu.memory_space<semaphore_mem>>)
    %dma_start3A_49 = arith.constant 0 : i32
    %dma_start3A_50 = arith.constant 0 : i32
    %dma_start3A_51 = tpu.memref_slice %arg7[%dma_start3A_49, %dma_start3A_50] : memref<2x64xi32, #tpu.memory_space<vmem>> -> memref<1x64xi32, #tpu.memory_space<vmem>>
    %dma_start3A_52 = tpu.memref_squeeze %dma_start3A_51 : memref<1x64xi32, #tpu.memory_space<vmem>> -> memref<64xi32, #tpu.memory_space<vmem>>
    %dma_start3A_53 = arith.constant 0 : i32
    %dma_start3A_54 = arith.constant 0 : i32
    %dma_start3A_55 = tpu.memref_slice %arg2[%dma_start3A_53, %dma_start3A_54] : memref<20000x128xf32, #tpu.memory_space<hbm>> -> memref<20000x128xf32, #tpu.memory_space<hbm>>
    tpu.enqueue_indirect_dma source(%dma_start3A_55 : memref<20000x128xf32, #tpu.memory_space<hbm>>) target(%arg11 : memref<64x128xf32, #tpu.memory_space<vmem>>) offsets(%dma_start3A_52 : memref<64xi32, #tpu.memory_space<vmem>>) semaphore(%arg18 : memref<!tpu.dma_semaphore, #tpu.memory_space<semaphore_mem>>)
    %scan3A_56 = arith.constant 0 : i32
    %scan3A_57 = arith.constant 0 : i32
    %scan3A_58 = arith.constant 156 : i32
    %scan3A_59 = arith.addi %scan3A_57, %scan3A_58 : i32
    %scan3A_60 = arith.constant 1 : i32
    scf.for %scan3A_97 = %scan3A_57 to %scan3A_59 step %scan3A_60  : i32 {
      %mul3A_98 = arith.constant 2 : i32
      %mul3A_99 = arith.muli %mul3A_98, %scan3A_97 : i32
      %dma_wait3A_100 = arith.constant 0 : i32
      %dma_wait3A_101 = arith.constant 0 : i32
      %dma_wait3A_102 = arith.constant 0 : i32
      %dma_wait3A_103 = tpu.memref_slice %arg4[%dma_wait3A_100, %dma_wait3A_101, %dma_wait3A_102] : memref<10048x2x64xi32, #tpu.memory_space<hbm>> -> memref<1x2x64xi32, #tpu.memory_space<hbm>>
      %dma_wait3A_104 = tpu.memref_squeeze %dma_wait3A_103 : memref<1x2x64xi32, #tpu.memory_space<hbm>> -> memref<2x64xi32, #tpu.memory_space<hbm>>
      %dma_wait3A_105 = arith.constant 0 : i32
      %dma_wait3A_106 = arith.constant 0 : i32
      %dma_wait3A_107 = tpu.memref_slice %arg4[%dma_wait3A_100, %dma_wait3A_105, %dma_wait3A_106] : memref<10048x2x64xi32, #tpu.memory_space<hbm>> -> memref<1x2x64xi32, #tpu.memory_space<hbm>>
      %dma_wait3A_108 = tpu.memref_squeeze %dma_wait3A_107 : memref<1x2x64xi32, #tpu.memory_space<hbm>> -> memref<2x64xi32, #tpu.memory_space<hbm>>
      tpu.wait_dma2 semaphore(%arg15 : memref<!tpu.dma_semaphore, #tpu.memory_space<semaphore_mem>>) src(%dma_wait3A_108 : memref<2x64xi32, #tpu.memory_space<hbm>>) dst(%arg8 : memref<2x64xi32, #tpu.memory_space<vmem>>)
      %add3A_109 = arith.constant 1 : i32
      %add3A_110 = arith.addi %mul3A_99, %add3A_109 : i32
      %mul3A_111 = arith.constant 64 : i32
      %mul3A_112 = arith.muli %add3A_110, %mul3A_111 : i32
      %min3A_113 = arith.constant 19936 : i32
      %min3A_114 = arith.minsi %mul3A_112, %min3A_113 : i32
      %add3A_115 = arith.addi %add3A_14, %min3A_114 : i32
      %dma_start3A_116 = arith.constant 0 : i32
      %dma_start3A_117 = tpu.memref_slice %arg3[%add3A_115, %dma_start3A_116] : memref<640000x128xf32, #tpu.memory_space<hbm>> -> memref<64x128xf32, #tpu.memory_space<hbm>>
      %dma_start3A_118 = arith.constant 0 : i32
      %dma_start3A_119 = tpu.memref_slice %arg3[%add3A_115, %dma_start3A_118] : memref<640000x128xf32, #tpu.memory_space<hbm>> -> memref<64x128xf32, #tpu.memory_space<hbm>>
      tpu.enqueue_dma source(%dma_start3A_119 : memref<64x128xf32, #tpu.memory_space<hbm>>) target(%arg10 : memref<64x128xf32, #tpu.memory_space<vmem>>) target_semaphore(%arg17 : memref<!tpu.dma_semaphore, #tpu.memory_space<semaphore_mem>>)
      %dma_start3A_120 = arith.constant 0 : i32
      %dma_start3A_121 = arith.constant 0 : i32
      %dma_start3A_122 = tpu.memref_slice %arg8[%dma_start3A_120, %dma_start3A_121] : memref<2x64xi32, #tpu.memory_space<vmem>> -> memref<1x64xi32, #tpu.memory_space<vmem>>
      %dma_start3A_123 = tpu.memref_squeeze %dma_start3A_122 : memref<1x64xi32, #tpu.memory_space<vmem>> -> memref<64xi32, #tpu.memory_space<vmem>>
      %dma_start3A_124 = arith.constant 0 : i32
      %dma_start3A_125 = arith.constant 0 : i32
      %dma_start3A_126 = tpu.memref_slice %arg2[%dma_start3A_124, %dma_start3A_125] : memref<20000x128xf32, #tpu.memory_space<hbm>> -> memref<20000x128xf32, #tpu.memory_space<hbm>>
      tpu.enqueue_indirect_dma source(%dma_start3A_126 : memref<20000x128xf32, #tpu.memory_space<hbm>>) target(%arg12 : memref<64x128xf32, #tpu.memory_space<vmem>>) offsets(%dma_start3A_123 : memref<64xi32, #tpu.memory_space<vmem>>) semaphore(%arg19 : memref<!tpu.dma_semaphore, #tpu.memory_space<semaphore_mem>>)
      %dma_wait3A_127 = arith.constant 0 : i32
      %dma_wait3A_128 = arith.constant 0 : i32
      %dma_wait3A_129 = tpu.memref_slice %arg3[%dma_wait3A_127, %dma_wait3A_128] : memref<640000x128xf32, #tpu.memory_space<hbm>> -> memref<64x128xf32, #tpu.memory_space<hbm>>
      %dma_wait3A_130 = arith.constant 0 : i32
      %dma_wait3A_131 = arith.constant 0 : i32
      %dma_wait3A_132 = tpu.memref_slice %arg3[%dma_wait3A_130, %dma_wait3A_131] : memref<640000x128xf32, #tpu.memory_space<hbm>> -> memref<64x128xf32, #tpu.memory_space<hbm>>
      tpu.wait_dma2 semaphore(%arg16 : memref<!tpu.dma_semaphore, #tpu.memory_space<semaphore_mem>>) src(%dma_wait3A_132 : memref<64x128xf32, #tpu.memory_space<hbm>>) dst(%arg9 : memref<64x128xf32, #tpu.memory_space<vmem>>)
      %dma_wait3A_133 = arith.constant 0 : i32
      %dma_wait3A_134 = arith.constant 0 : i32
      %dma_wait3A_135 = tpu.memref_slice %arg2[%dma_wait3A_133, %dma_wait3A_134] : memref<20000x128xf32, #tpu.memory_space<hbm>> -> memref<64x128xf32, #tpu.memory_space<hbm>>
      %dma_wait3A_136 = arith.constant 0 : i32
      %dma_wait3A_137 = arith.constant 0 : i32
      %dma_wait3A_138 = tpu.memref_slice %arg2[%dma_wait3A_136, %dma_wait3A_137] : memref<20000x128xf32, #tpu.memory_space<hbm>> -> memref<64x128xf32, #tpu.memory_space<hbm>>
      tpu.wait_dma2 semaphore(%arg18 : memref<!tpu.dma_semaphore, #tpu.memory_space<semaphore_mem>>) src(%dma_wait3A_138 : memref<64x128xf32, #tpu.memory_space<hbm>>) dst(%arg11 : memref<64x128xf32, #tpu.memory_space<vmem>>)
      %parallel_loop3A_139 = arith.constant 0 : i32
      %parallel_loop3A_140 = arith.constant 64 : i32
      %parallel_loop3A_141 = arith.constant 1 : i32
      scf.for %parallel_loop3A_212 = %parallel_loop3A_139 to %parallel_loop3A_140 step %parallel_loop3A_141  : i32 {
        %parallel_loop3A_213 = arith.index_cast %parallel_loop3A_212 : i32 to index
        %parallel_loop3A_214 = arith.constant 0 : index
        %parallel_loop3A_215 = tpu.vector_load %arg9[%parallel_loop3A_213, %parallel_loop3A_214] {strides = array<i32>} : memref<64x128xf32, #tpu.memory_space<vmem>>, vector<1x16xf32>,
        %parallel_loop3A_216 = vector.shape_cast %parallel_loop3A_215 : vector<1x16xf32> to vector<16xf32>
        %parallel_loop3A_217 = arith.index_cast %parallel_loop3A_212 : i32 to index
        %parallel_loop3A_218 = arith.constant 0 : index
        %parallel_loop3A_219 = tpu.vector_load %arg11[%parallel_loop3A_217, %parallel_loop3A_218] {strides = array<i32>} : memref<64x128xf32, #tpu.memory_space<vmem>>, vector<1x16xf32>,
        %parallel_loop3A_220 = vector.shape_cast %parallel_loop3A_219 : vector<1x16xf32> to vector<16xf32>
        %parallel_loop3A_221 = arith.addf %parallel_loop3A_216, %parallel_loop3A_220 : vector<16xf32>
        %parallel_loop3A_222 = arith.constant 0.000000e+00 : f32
        %parallel_loop3A_223 = vector.broadcast %parallel_loop3A_222 : f32 to vector<16xf32>
        %parallel_loop3A_224 = arith.maximumf %parallel_loop3A_221, %parallel_loop3A_223 : vector<16xf32>
        %parallel_loop3A_225 = arith.index_cast %parallel_loop3A_212 : i32 to index
        %parallel_loop3A_226 = arith.constant 0 : index
        %parallel_loop3A_227 = tpu.vector_load %arg9[%parallel_loop3A_225, %parallel_loop3A_226] {strides = array<i32>} : memref<64x128xf32, #tpu.memory_space<vmem>>, vector<1x16xf32>,
        %parallel_loop3A_228 = vector.shape_cast %parallel_loop3A_227 : vector<1x16xf32> to vector<16xf32>
        %parallel_loop3A_229 = vector.shape_cast %parallel_loop3A_224 : vector<16xf32> to vector<1x16xf32>
        tpu.vector_store %arg9[%parallel_loop3A_225, %parallel_loop3A_226], %parallel_loop3A_229 {strides = array<i32>} : memref<64x128xf32, #tpu.memory_space<vmem>>, vector<1x16xf32>,
        %parallel_loop3A_230 = arith.index_cast %parallel_loop3A_212 : i32 to index
        %parallel_loop3A_231 = arith.constant 16 : index
        %parallel_loop3A_232 = tpu.vector_load %arg9[%parallel_loop3A_230, %parallel_loop3A_231] {strides = array<i32>} : memref<64x128xf32, #tpu.memory_space<vmem>>, vector<1x16xf32>,
        %parallel_loop3A_233 = vector.shape_cast %parallel_loop3A_232 : vector<1x16xf32> to vector<16xf32>
        %parallel_loop3A_234 = arith.index_cast %parallel_loop3A_212 : i32 to index
        %parallel_loop3A_235 = arith.constant 16 : index
        %parallel_loop3A_236 = tpu.vector_load %arg11[%parallel_loop3A_234, %parallel_loop3A_235] {strides = array<i32>} : memref<64x128xf32, #tpu.memory_space<vmem>>, vector<1x16xf32>,
        %parallel_loop3A_237 = vector.shape_cast %parallel_loop3A_236 : vector<1x16xf32> to vector<16xf32>
        %parallel_loop3A_238 = arith.addf %parallel_loop3A_233, %parallel_loop3A_237 : vector<16xf32>
        %parallel_loop3A_239 = arith.constant 0.000000e+00 : f32
        %parallel_loop3A_240 = vector.broadcast %parallel_loop3A_239 : f32 to vector<16xf32>
        %parallel_loop3A_241 = arith.maximumf %parallel_loop3A_238, %parallel_loop3A_240 : vector<16xf32>
        %parallel_loop3A_242 = arith.index_cast %parallel_loop3A_212 : i32 to index
        %parallel_loop3A_243 = arith.constant 16 : index
        %parallel_loop3A_244 = tpu.vector_load %arg9[%parallel_loop3A_242, %parallel_loop3A_243] {strides = array<i32>} : memref<64x128xf32, #tpu.memory_space<vmem>>, vector<1x16xf32>,
        %parallel_loop3A_245 = vector.shape_cast %parallel_loop3A_244 : vector<1x16xf32> to vector<16xf32>
        %parallel_loop3A_246 = vector.shape_cast %parallel_loop3A_241 : vector<16xf32> to vector<1x16xf32>
        tpu.vector_store %arg9[%parallel_loop3A_242, %parallel_loop3A_243], %parallel_loop3A_246 {strides = array<i32>} : memref<64x128xf32, #tpu.memory_space<vmem>>, vector<1x16xf32>,
        %parallel_loop3A_247 = arith.index_cast %parallel_loop3A_212 : i32 to index
        %parallel_loop3A_248 = arith.constant 32 : index
        %parallel_loop3A_249 = tpu.vector_load %arg9[%parallel_loop3A_247, %parallel_loop3A_248] {strides = array<i32>} : memref<64x128xf32, #tpu.memory_space<vmem>>, vector<1x16xf32>,
        %parallel_loop3A_250 = vector.shape_cast %parallel_loop3A_249 : vector<1x16xf32> to vector<16xf32>
        %parallel_loop3A_251 = arith.index_cast %parallel_loop3A_212 : i32 to index
        %parallel_loop3A_252 = arith.constant 32 : index
        %parallel_loop3A_253 = tpu.vector_load %arg11[%parallel_loop3A_251, %parallel_loop3A_252] {strides = array<i32>} : memref<64x128xf32, #tpu.memory_space<vmem>>, vector<1x16xf32>,
        %parallel_loop3A_254 = vector.shape_cast %parallel_loop3A_253 : vector<1x16xf32> to vector<16xf32>
        %parallel_loop3A_255 = arith.addf %parallel_loop3A_250, %parallel_loop3A_254 : vector<16xf32>
        %parallel_loop3A_256 = arith.constant 0.000000e+00 : f32
        %parallel_loop3A_257 = vector.broadcast %parallel_loop3A_256 : f32 to vector<16xf32>
        %parallel_loop3A_258 = arith.maximumf %parallel_loop3A_255, %parallel_loop3A_257 : vector<16xf32>
        %parallel_loop3A_259 = arith.index_cast %parallel_loop3A_212 : i32 to index
        %parallel_loop3A_260 = arith.constant 32 : index
        %parallel_loop3A_261 = tpu.vector_load %arg9[%parallel_loop3A_259, %parallel_loop3A_260] {strides = array<i32>} : memref<64x128xf32, #tpu.memory_space<vmem>>, vector<1x16xf32>,
        %parallel_loop3A_262 = vector.shape_cast %parallel_loop3A_261 : vector<1x16xf32> to vector<16xf32>
        %parallel_loop3A_263 = vector.shape_cast %parallel_loop3A_258 : vector<16xf32> to vector<1x16xf32>
        tpu.vector_store %arg9[%parallel_loop3A_259, %parallel_loop3A_260], %parallel_loop3A_263 {strides = array<i32>} : memref<64x128xf32, #tpu.memory_space<vmem>>, vector<1x16xf32>,
        %parallel_loop3A_264 = arith.index_cast %parallel_loop3A_212 : i32 to index
        %parallel_loop3A_265 = arith.constant 48 : index
        %parallel_loop3A_266 = tpu.vector_load %arg9[%parallel_loop3A_264, %parallel_loop3A_265] {strides = array<i32>} : memref<64x128xf32, #tpu.memory_space<vmem>>, vector<1x16xf32>,
        %parallel_loop3A_267 = vector.shape_cast %parallel_loop3A_266 : vector<1x16xf32> to vector<16xf32>
        %parallel_loop3A_268 = arith.index_cast %parallel_loop3A_212 : i32 to index
        %parallel_loop3A_269 = arith.constant 48 : index
        %parallel_loop3A_270 = tpu.vector_load %arg11[%parallel_loop3A_268, %parallel_loop3A_269] {strides = array<i32>} : memref<64x128xf32, #tpu.memory_space<vmem>>, vector<1x16xf32>,
        %parallel_loop3A_271 = vector.shape_cast %parallel_loop3A_270 : vector<1x16xf32> to vector<16xf32>
        %parallel_loop3A_272 = arith.addf %parallel_loop3A_267, %parallel_loop3A_271 : vector<16xf32>
        %parallel_loop3A_273 = arith.constant 0.000000e+00 : f32
        %parallel_loop3A_274 = vector.broadcast %parallel_loop3A_273 : f32 to vector<16xf32>
        %parallel_loop3A_275 = arith.maximumf %parallel_loop3A_272, %parallel_loop3A_274 : vector<16xf32>
        %parallel_loop3A_276 = arith.index_cast %parallel_loop3A_212 : i32 to index
        %parallel_loop3A_277 = arith.constant 48 : index
        %parallel_loop3A_278 = tpu.vector_load %arg9[%parallel_loop3A_276, %parallel_loop3A_277] {strides = array<i32>} : memref<64x128xf32, #tpu.memory_space<vmem>>, vector<1x16xf32>,
        %parallel_loop3A_279 = vector.shape_cast %parallel_loop3A_278 : vector<1x16xf32> to vector<16xf32>
        %parallel_loop3A_280 = vector.shape_cast %parallel_loop3A_275 : vector<16xf32> to vector<1x16xf32>
        tpu.vector_store %arg9[%parallel_loop3A_276, %parallel_loop3A_277], %parallel_loop3A_280 {strides = array<i32>} : memref<64x128xf32, #tpu.memory_space<vmem>>, vector<1x16xf32>,
        %parallel_loop3A_281 = arith.index_cast %parallel_loop3A_212 : i32 to index
        %parallel_loop3A_282 = arith.constant 64 : index
        %parallel_loop3A_283 = tpu.vector_load %arg9[%parallel_loop3A_281, %parallel_loop3A_282] {strides = array<i32>} : memref<64x128xf32, #tpu.memory_space<vmem>>, vector<1x16xf32>,
        %parallel_loop3A_284 = vector.shape_cast %parallel_loop3A_283 : vector<1x16xf32> to vector<16xf32>
        %parallel_loop3A_285 = arith.index_cast %parallel_loop3A_212 : i32 to index
        %parallel_loop3A_286 = arith.constant 64 : index
        %parallel_loop3A_287 = tpu.vector_load %arg11[%parallel_loop3A_285, %parallel_loop3A_286] {strides = array<i32>} : memref<64x128xf32, #tpu.memory_space<vmem>>, vector<1x16xf32>,
        %parallel_loop3A_288 = vector.shape_cast %parallel_loop3A_287 : vector<1x16xf32> to vector<16xf32>
        %parallel_loop3A_289 = arith.addf %parallel_loop3A_284, %parallel_loop3A_288 : vector<16xf32>
        %parallel_loop3A_290 = arith.constant 0.000000e+00 : f32
        %parallel_loop3A_291 = vector.broadcast %parallel_loop3A_290 : f32 to vector<16xf32>
        %parallel_loop3A_292 = arith.maximumf %parallel_loop3A_289, %parallel_loop3A_291 : vector<16xf32>
        %parallel_loop3A_293 = arith.index_cast %parallel_loop3A_212 : i32 to index
        %parallel_loop3A_294 = arith.constant 64 : index
        %parallel_loop3A_295 = tpu.vector_load %arg9[%parallel_loop3A_293, %parallel_loop3A_294] {strides = array<i32>} : memref<64x128xf32, #tpu.memory_space<vmem>>, vector<1x16xf32>,
        %parallel_loop3A_296 = vector.shape_cast %parallel_loop3A_295 : vector<1x16xf32> to vector<16xf32>
        %parallel_loop3A_297 = vector.shape_cast %parallel_loop3A_292 : vector<16xf32> to vector<1x16xf32>
        tpu.vector_store %arg9[%parallel_loop3A_293, %parallel_loop3A_294], %parallel_loop3A_297 {strides = array<i32>} : memref<64x128xf32, #tpu.memory_space<vmem>>, vector<1x16xf32>,
        %parallel_loop3A_298 = arith.index_cast %parallel_loop3A_212 : i32 to index
        %parallel_loop3A_299 = arith.constant 80 : index
        %parallel_loop3A_300 = tpu.vector_load %arg9[%parallel_loop3A_298, %parallel_loop3A_299] {strides = array<i32>} : memref<64x128xf32, #tpu.memory_space<vmem>>, vector<1x16xf32>,
        %parallel_loop3A_301 = vector.shape_cast %parallel_loop3A_300 : vector<1x16xf32> to vector<16xf32>
        %parallel_loop3A_302 = arith.index_cast %parallel_loop3A_212 : i32 to index
        %parallel_loop3A_303 = arith.constant 80 : index
        %parallel_loop3A_304 = tpu.vector_load %arg11[%parallel_loop3A_302, %parallel_loop3A_303] {strides = array<i32>} : memref<64x128xf32, #tpu.memory_space<vmem>>, vector<1x16xf32>,
        %parallel_loop3A_305 = vector.shape_cast %parallel_loop3A_304 : vector<1x16xf32> to vector<16xf32>
        %parallel_loop3A_306 = arith.addf %parallel_loop3A_301, %parallel_loop3A_305 : vector<16xf32>
        %parallel_loop3A_307 = arith.constant 0.000000e+00 : f32
        %parallel_loop3A_308 = vector.broadcast %parallel_loop3A_307 : f32 to vector<16xf32>
        %parallel_loop3A_309 = arith.maximumf %parallel_loop3A_306, %parallel_loop3A_308 : vector<16xf32>
        %parallel_loop3A_310 = arith.index_cast %parallel_loop3A_212 : i32 to index
        %parallel_loop3A_311 = arith.constant 80 : index
        %parallel_loop3A_312 = tpu.vector_load %arg9[%parallel_loop3A_310, %parallel_loop3A_311] {strides = array<i32>} : memref<64x128xf32, #tpu.memory_space<vmem>>, vector<1x16xf32>,
        %parallel_loop3A_313 = vector.shape_cast %parallel_loop3A_312 : vector<1x16xf32> to vector<16xf32>
        %parallel_loop3A_314 = vector.shape_cast %parallel_loop3A_309 : vector<16xf32> to vector<1x16xf32>
        tpu.vector_store %arg9[%parallel_loop3A_310, %parallel_loop3A_311], %parallel_loop3A_314 {strides = array<i32>} : memref<64x128xf32, #tpu.memory_space<vmem>>, vector<1x16xf32>,
        %parallel_loop3A_315 = arith.index_cast %parallel_loop3A_212 : i32 to index
        %parallel_loop3A_316 = arith.constant 96 : index
        %parallel_loop3A_317 = tpu.vector_load %arg9[%parallel_loop3A_315, %parallel_loop3A_316] {strides = array<i32>} : memref<64x128xf32, #tpu.memory_space<vmem>>, vector<1x16xf32>,
        %parallel_loop3A_318 = vector.shape_cast %parallel_loop3A_317 : vector<1x16xf32> to vector<16xf32>
        %parallel_loop3A_319 = arith.index_cast %parallel_loop3A_212 : i32 to index
        %parallel_loop3A_320 = arith.constant 96 : index
        %parallel_loop3A_321 = tpu.vector_load %arg11[%parallel_loop3A_319, %parallel_loop3A_320] {strides = array<i32>} : memref<64x128xf32, #tpu.memory_space<vmem>>, vector<1x16xf32>,
        %parallel_loop3A_322 = vector.shape_cast %parallel_loop3A_321 : vector<1x16xf32> to vector<16xf32>
        %parallel_loop3A_323 = arith.addf %parallel_loop3A_318, %parallel_loop3A_322 : vector<16xf32>
        %parallel_loop3A_324 = arith.constant 0.000000e+00 : f32
        %parallel_loop3A_325 = vector.broadcast %parallel_loop3A_324 : f32 to vector<16xf32>
        %parallel_loop3A_326 = arith.maximumf %parallel_loop3A_323, %parallel_loop3A_325 : vector<16xf32>
        %parallel_loop3A_327 = arith.index_cast %parallel_loop3A_212 : i32 to index
        %parallel_loop3A_328 = arith.constant 96 : index
        %parallel_loop3A_329 = tpu.vector_load %arg9[%parallel_loop3A_327, %parallel_loop3A_328] {strides = array<i32>} : memref<64x128xf32, #tpu.memory_space<vmem>>, vector<1x16xf32>,
        %parallel_loop3A_330 = vector.shape_cast %parallel_loop3A_329 : vector<1x16xf32> to vector<16xf32>
        %parallel_loop3A_331 = vector.shape_cast %parallel_loop3A_326 : vector<16xf32> to vector<1x16xf32>
        tpu.vector_store %arg9[%parallel_loop3A_327, %parallel_loop3A_328], %parallel_loop3A_331 {strides = array<i32>} : memref<64x128xf32, #tpu.memory_space<vmem>>, vector<1x16xf32>,
        %parallel_loop3A_332 = arith.index_cast %parallel_loop3A_212 : i32 to index
        %parallel_loop3A_333 = arith.constant 112 : index
        %parallel_loop3A_334 = tpu.vector_load %arg9[%parallel_loop3A_332, %parallel_loop3A_333] {strides = array<i32>} : memref<64x128xf32, #tpu.memory_space<vmem>>, vector<1x16xf32>,
        %parallel_loop3A_335 = vector.shape_cast %parallel_loop3A_334 : vector<1x16xf32> to vector<16xf32>
        %parallel_loop3A_336 = arith.index_cast %parallel_loop3A_212 : i32 to index
        %parallel_loop3A_337 = arith.constant 112 : index
        %parallel_loop3A_338 = tpu.vector_load %arg11[%parallel_loop3A_336, %parallel_loop3A_337] {strides = array<i32>} : memref<64x128xf32, #tpu.memory_space<vmem>>, vector<1x16xf32>,
        %parallel_loop3A_339 = vector.shape_cast %parallel_loop3A_338 : vector<1x16xf32> to vector<16xf32>
        %parallel_loop3A_340 = arith.addf %parallel_loop3A_335, %parallel_loop3A_339 : vector<16xf32>
        %parallel_loop3A_341 = arith.constant 0.000000e+00 : f32
        %parallel_loop3A_342 = vector.broadcast %parallel_loop3A_341 : f32 to vector<16xf32>
        %parallel_loop3A_343 = arith.maximumf %parallel_loop3A_340, %parallel_loop3A_342 : vector<16xf32>
        %parallel_loop3A_344 = arith.index_cast %parallel_loop3A_212 : i32 to index
        %parallel_loop3A_345 = arith.constant 112 : index
        %parallel_loop3A_346 = tpu.vector_load %arg9[%parallel_loop3A_344, %parallel_loop3A_345] {strides = array<i32>} : memref<64x128xf32, #tpu.memory_space<vmem>>, vector<1x16xf32>,
        %parallel_loop3A_347 = vector.shape_cast %parallel_loop3A_346 : vector<1x16xf32> to vector<16xf32>
        %parallel_loop3A_348 = vector.shape_cast %parallel_loop3A_343 : vector<16xf32> to vector<1x16xf32>
        tpu.vector_store %arg9[%parallel_loop3A_344, %parallel_loop3A_345], %parallel_loop3A_348 {strides = array<i32>} : memref<64x128xf32, #tpu.memory_space<vmem>>, vector<1x16xf32>,
      } {sc.loop_unroll_factor = 4 : i64, sc.parallel_access}
      %run_scoped3A_142 = arith.constant 1 : i32
      "tpu.region"() ({
        %run_scoped3A_212 = tpu.sem_alloc : memref<!tpu.dma_semaphore, #tpu.memory_space<semaphore_mem>>
        %dma_start3A_213 = arith.constant 0 : i32
        %dma_start3A_214 = tpu.memref_slice %arg7[%run_scoped3A_142, %dma_start3A_213] : memref<2x64xi32, #tpu.memory_space<vmem>> -> memref<1x64xi32, #tpu.memory_space<vmem>>
        %dma_start3A_215 = tpu.memref_squeeze %dma_start3A_214 : memref<1x64xi32, #tpu.memory_space<vmem>> -> memref<64xi32, #tpu.memory_space<vmem>>
        %dma_start3A_216 = arith.constant 0 : i32
        %dma_start3A_217 = arith.constant 0 : i32
        %dma_start3A_218 = tpu.memref_slice %arg13[%dma_start3A_216, %dma_start3A_217] : memref<10008x128xf32, #tpu.memory_space<vmem_shared>> -> memref<10008x128xf32, #tpu.memory_space<vmem_shared>>
        tpu.enqueue_indirect_dma source(%arg9 : memref<64x128xf32, #tpu.memory_space<vmem>>) target(%dma_start3A_218 : memref<10008x128xf32, #tpu.memory_space<vmem_shared>>) offsets(%dma_start3A_215 : memref<64xi32, #tpu.memory_space<vmem>>) semaphore(%run_scoped3A_212 : memref<!tpu.dma_semaphore, #tpu.memory_space<semaphore_mem>>) {add = true}
        %dma_wait3A_219 = arith.constant 0 : i32
        %dma_wait3A_220 = tpu.memref_slice %arg7[%run_scoped3A_142, %dma_wait3A_219] : memref<2x64xi32, #tpu.memory_space<vmem>> -> memref<1x64xi32, #tpu.memory_space<vmem>>
        %dma_wait3A_221 = tpu.memref_squeeze %dma_wait3A_220 : memref<1x64xi32, #tpu.memory_space<vmem>> -> memref<64xi32, #tpu.memory_space<vmem>>
        %dma_wait3A_222 = arith.constant 0 : i32
        %dma_wait3A_223 = arith.constant 0 : i32
        %dma_wait3A_224 = tpu.memref_slice %arg13[%dma_wait3A_222, %dma_wait3A_223] : memref<10008x128xf32, #tpu.memory_space<vmem_shared>> -> memref<10008x128xf32, #tpu.memory_space<vmem_shared>>
        tpu.wait_indirect_dma semaphore(%run_scoped3A_212 : memref<!tpu.dma_semaphore, #tpu.memory_space<semaphore_mem>>) src(%arg9 : memref<64x128xf32, #tpu.memory_space<vmem>>) dst(%dma_wait3A_224 : memref<10008x128xf32, #tpu.memory_space<vmem_shared>>)
        tpu.yield
      }) : () -> ()
      %add3A_143 = arith.constant 2 : i32
      %add3A_144 = arith.addi %mul3A_99, %add3A_143 : i32
      %add3A_145 = arith.addi %mul3A_9, %add3A_144 : i32
      %dma_start3A_146 = arith.constant 0 : i32
      %dma_start3A_147 = arith.constant 0 : i32
      %dma_start3A_148 = tpu.memref_slice %arg4[%add3A_145, %dma_start3A_146, %dma_start3A_147] : memref<10048x2x64xi32, #tpu.memory_space<hbm>> -> memref<1x2x64xi32, #tpu.memory_space<hbm>>
      %dma_start3A_149 = tpu.memref_squeeze %dma_start3A_148 : memref<1x2x64xi32, #tpu.memory_space<hbm>> -> memref<2x64xi32, #tpu.memory_space<hbm>>
      %dma_start3A_150 = arith.constant 0 : i32
      %dma_start3A_151 = arith.constant 0 : i32
      %dma_start3A_152 = tpu.memref_slice %arg4[%add3A_145, %dma_start3A_150, %dma_start3A_151] : memref<10048x2x64xi32, #tpu.memory_space<hbm>> -> memref<1x2x64xi32, #tpu.memory_space<hbm>>
      %dma_start3A_153 = tpu.memref_squeeze %dma_start3A_152 : memref<1x2x64xi32, #tpu.memory_space<hbm>> -> memref<2x64xi32, #tpu.memory_space<hbm>>
      tpu.enqueue_dma source(%dma_start3A_153 : memref<2x64xi32, #tpu.memory_space<hbm>>) target(%arg7 : memref<2x64xi32, #tpu.memory_space<vmem>>) target_semaphore(%arg14 : memref<!tpu.dma_semaphore, #tpu.memory_space<semaphore_mem>>)
      %mul3A_154 = arith.constant 2 : i32
      %mul3A_155 = arith.muli %mul3A_154, %scan3A_97 : i32
      %add3A_156 = arith.constant 1 : i32
      %add3A_157 = arith.addi %mul3A_155, %add3A_156 : i32
      %dma_wait3A_158 = arith.constant 0 : i32
      %dma_wait3A_159 = arith.constant 0 : i32
      %dma_wait3A_160 = arith.constant 0 : i32
      %dma_wait3A_161 = tpu.memref_slice %arg4[%dma_wait3A_158, %dma_wait3A_159, %dma_wait3A_160] : memref<10048x2x64xi32, #tpu.memory_space<hbm>> -> memref<1x2x64xi32, #tpu.memory_space<hbm>>
      %dma_wait3A_162 = tpu.memref_squeeze %dma_wait3A_161 : memref<1x2x64xi32, #tpu.memory_space<hbm>> -> memref<2x64xi32, #tpu.memory_space<hbm>>
      %dma_wait3A_163 = arith.constant 0 : i32
      %dma_wait3A_164 = arith.constant 0 : i32
      %dma_wait3A_165 = tpu.memref_slice %arg4[%dma_wait3A_158, %dma_wait3A_163, %dma_wait3A_164] : memref<10048x2x64xi32, #tpu.memory_space<hbm>> -> memref<1x2x64xi32, #tpu.memory_space<hbm>>
      %dma_wait3A_166 = tpu.memref_squeeze %dma_wait3A_165 : memref<1x2x64xi32, #tpu.memory_space<hbm>> -> memref<2x64xi32, #tpu.memory_space<hbm>>
      tpu.wait_dma2 semaphore(%arg14 : memref<!tpu.dma_semaphore, #tpu.memory_space<semaphore_mem>>) src(%dma_wait3A_166 : memref<2x64xi32, #tpu.memory_space<hbm>>) dst(%arg7 : memref<2x64xi32, #tpu.memory_space<vmem>>)
      %add3A_167 = arith.constant 1 : i32
      %add3A_168 = arith.addi %add3A_157, %add3A_167 : i32
      %mul3A_169 = arith.constant 64 : i32
      %mul3A_170 = arith.muli %add3A_168, %mul3A_169 : i32
      %min3A_171 = arith.constant 19936 : i32
      %min3A_172 = arith.minsi %mul3A_170, %min3A_171 : i32
      %add3A_173 = arith.addi %add3A_14, %min3A_172 : i32
      %dma_start3A_174 = arith.constant 0 : i32
      %dma_start3A_175 = tpu.memref_slice %arg3[%add3A_173, %dma_start3A_174] : memref<640000x128xf32, #tpu.memory_space<hbm>> -> memref<64x128xf32, #tpu.memory_space<hbm>>
      %dma_start3A_176 = arith.constant 0 : i32
      %dma_start3A_177 = tpu.memref_slice %arg3[%add3A_173, %dma_start3A_176] : memref<640000x128xf32, #tpu.memory_space<hbm>> -> memref<64x128xf32, #tpu.memory_space<hbm>>
      tpu.enqueue_dma source(%dma_start3A_177 : memref<64x128xf32, #tpu.memory_space<hbm>>) target(%arg9 : memref<64x128xf32, #tpu.memory_space<vmem>>) target_semaphore(%arg16 : memref<!tpu.dma_semaphore, #tpu.memory_space<semaphore_mem>>)
      %dma_start3A_178 = arith.constant 0 : i32
      %dma_start3A_179 = arith.constant 0 : i32
      %dma_start3A_180 = tpu.memref_slice %arg7[%dma_start3A_178, %dma_start3A_179] : memref<2x64xi32, #tpu.memory_space<vmem>> -> memref<1x64xi32, #tpu.memory_space<vmem>>
      %dma_start3A_181 = tpu.memref_squeeze %dma_start3A_180 : memref<1x64xi32, #tpu.memory_space<vmem>> -> memref<64xi32, #tpu.memory_space<vmem>>
      %dma_start3A_182 = arith.constant 0 : i32
      %dma_start3A_183 = arith.constant 0 : i32
      %dma_start3A_184 = tpu.memref_slice %arg2[%dma_start3A_182, %dma_start3A_183] : memref<20000x128xf32, #tpu.memory_space<hbm>> -> memref<20000x128xf32, #tpu.memory_space<hbm>>
      tpu.enqueue_indirect_dma source(%dma_start3A_184 : memref<20000x128xf32, #tpu.memory_space<hbm>>) target(%arg11 : memref<64x128xf32, #tpu.memory_space<vmem>>) offsets(%dma_start3A_181 : memref<64xi32, #tpu.memory_space<vmem>>) semaphore(%arg18 : memref<!tpu.dma_semaphore, #tpu.memory_space<semaphore_mem>>)
      %dma_wait3A_185 = arith.constant 0 : i32
      %dma_wait3A_186 = arith.constant 0 : i32
      %dma_wait3A_187 = tpu.memref_slice %arg3[%dma_wait3A_185, %dma_wait3A_186] : memref<640000x128xf32, #tpu.memory_space<hbm>> -> memref<64x128xf32, #tpu.memory_space<hbm>>
      %dma_wait3A_188 = arith.constant 0 : i32
      %dma_wait3A_189 = arith.constant 0 : i32
      %dma_wait3A_190 = tpu.memref_slice %arg3[%dma_wait3A_188, %dma_wait3A_189] : memref<640000x128xf32, #tpu.memory_space<hbm>> -> memref<64x128xf32, #tpu.memory_space<hbm>>
      tpu.wait_dma2 semaphore(%arg17 : memref<!tpu.dma_semaphore, #tpu.memory_space<semaphore_mem>>) src(%dma_wait3A_190 : memref<64x128xf32, #tpu.memory_space<hbm>>) dst(%arg10 : memref<64x128xf32, #tpu.memory_space<vmem>>)
      %dma_wait3A_191 = arith.constant 0 : i32
      %dma_wait3A_192 = arith.constant 0 : i32
      %dma_wait3A_193 = tpu.memref_slice %arg2[%dma_wait3A_191, %dma_wait3A_192] : memref<20000x128xf32, #tpu.memory_space<hbm>> -> memref<64x128xf32, #tpu.memory_space<hbm>>
      %dma_wait3A_194 = arith.constant 0 : i32
      %dma_wait3A_195 = arith.constant 0 : i32
      %dma_wait3A_196 = tpu.memref_slice %arg2[%dma_wait3A_194, %dma_wait3A_195] : memref<20000x128xf32, #tpu.memory_space<hbm>> -> memref<64x128xf32, #tpu.memory_space<hbm>>
      tpu.wait_dma2 semaphore(%arg19 : memref<!tpu.dma_semaphore, #tpu.memory_space<semaphore_mem>>) src(%dma_wait3A_196 : memref<64x128xf32, #tpu.memory_space<hbm>>) dst(%arg12 : memref<64x128xf32, #tpu.memory_space<vmem>>)
      %parallel_loop3A_197 = arith.constant 0 : i32
      %parallel_loop3A_198 = arith.constant 64 : i32
      %parallel_loop3A_199 = arith.constant 1 : i32
      scf.for %parallel_loop3A_212 = %parallel_loop3A_197 to %parallel_loop3A_198 step %parallel_loop3A_199  : i32 {
        %parallel_loop3A_213 = arith.index_cast %parallel_loop3A_212 : i32 to index
        %parallel_loop3A_214 = arith.constant 0 : index
        %parallel_loop3A_215 = tpu.vector_load %arg10[%parallel_loop3A_213, %parallel_loop3A_214] {strides = array<i32>} : memref<64x128xf32, #tpu.memory_space<vmem>>, vector<1x16xf32>,
        %parallel_loop3A_216 = vector.shape_cast %parallel_loop3A_215 : vector<1x16xf32> to vector<16xf32>
        %parallel_loop3A_217 = arith.index_cast %parallel_loop3A_212 : i32 to index
        %parallel_loop3A_218 = arith.constant 0 : index
        %parallel_loop3A_219 = tpu.vector_load %arg12[%parallel_loop3A_217, %parallel_loop3A_218] {strides = array<i32>} : memref<64x128xf32, #tpu.memory_space<vmem>>, vector<1x16xf32>,
        %parallel_loop3A_220 = vector.shape_cast %parallel_loop3A_219 : vector<1x16xf32> to vector<16xf32>
        %parallel_loop3A_221 = arith.addf %parallel_loop3A_216, %parallel_loop3A_220 : vector<16xf32>
        %parallel_loop3A_222 = arith.constant 0.000000e+00 : f32
        %parallel_loop3A_223 = vector.broadcast %parallel_loop3A_222 : f32 to vector<16xf32>
        %parallel_loop3A_224 = arith.maximumf %parallel_loop3A_221, %parallel_loop3A_223 : vector<16xf32>
        %parallel_loop3A_225 = arith.index_cast %parallel_loop3A_212 : i32 to index
        %parallel_loop3A_226 = arith.constant 0 : index
        %parallel_loop3A_227 = tpu.vector_load %arg10[%parallel_loop3A_225, %parallel_loop3A_226] {strides = array<i32>} : memref<64x128xf32, #tpu.memory_space<vmem>>, vector<1x16xf32>,
        %parallel_loop3A_228 = vector.shape_cast %parallel_loop3A_227 : vector<1x16xf32> to vector<16xf32>
        %parallel_loop3A_229 = vector.shape_cast %parallel_loop3A_224 : vector<16xf32> to vector<1x16xf32>
        tpu.vector_store %arg10[%parallel_loop3A_225, %parallel_loop3A_226], %parallel_loop3A_229 {strides = array<i32>} : memref<64x128xf32, #tpu.memory_space<vmem>>, vector<1x16xf32>,
        %parallel_loop3A_230 = arith.index_cast %parallel_loop3A_212 : i32 to index
        %parallel_loop3A_231 = arith.constant 16 : index
        %parallel_loop3A_232 = tpu.vector_load %arg10[%parallel_loop3A_230, %parallel_loop3A_231] {strides = array<i32>} : memref<64x128xf32, #tpu.memory_space<vmem>>, vector<1x16xf32>,
        %parallel_loop3A_233 = vector.shape_cast %parallel_loop3A_232 : vector<1x16xf32> to vector<16xf32>
        %parallel_loop3A_234 = arith.index_cast %parallel_loop3A_212 : i32 to index
        %parallel_loop3A_235 = arith.constant 16 : index
        %parallel_loop3A_236 = tpu.vector_load %arg12[%parallel_loop3A_234, %parallel_loop3A_235] {strides = array<i32>} : memref<64x128xf32, #tpu.memory_space<vmem>>, vector<1x16xf32>,
        %parallel_loop3A_237 = vector.shape_cast %parallel_loop3A_236 : vector<1x16xf32> to vector<16xf32>
        %parallel_loop3A_238 = arith.addf %parallel_loop3A_233, %parallel_loop3A_237 : vector<16xf32>
        %parallel_loop3A_239 = arith.constant 0.000000e+00 : f32
        %parallel_loop3A_240 = vector.broadcast %parallel_loop3A_239 : f32 to vector<16xf32>
        %parallel_loop3A_241 = arith.maximumf %parallel_loop3A_238, %parallel_loop3A_240 : vector<16xf32>
        %parallel_loop3A_242 = arith.index_cast %parallel_loop3A_212 : i32 to index
        %parallel_loop3A_243 = arith.constant 16 : index
        %parallel_loop3A_244 = tpu.vector_load %arg10[%parallel_loop3A_242, %parallel_loop3A_243] {strides = array<i32>} : memref<64x128xf32, #tpu.memory_space<vmem>>, vector<1x16xf32>,
        %parallel_loop3A_245 = vector.shape_cast %parallel_loop3A_244 : vector<1x16xf32> to vector<16xf32>
        %parallel_loop3A_246 = vector.shape_cast %parallel_loop3A_241 : vector<16xf32> to vector<1x16xf32>
        tpu.vector_store %arg10[%parallel_loop3A_242, %parallel_loop3A_243], %parallel_loop3A_246 {strides = array<i32>} : memref<64x128xf32, #tpu.memory_space<vmem>>, vector<1x16xf32>,
        %parallel_loop3A_247 = arith.index_cast %parallel_loop3A_212 : i32 to index
        %parallel_loop3A_248 = arith.constant 32 : index
        %parallel_loop3A_249 = tpu.vector_load %arg10[%parallel_loop3A_247, %parallel_loop3A_248] {strides = array<i32>} : memref<64x128xf32, #tpu.memory_space<vmem>>, vector<1x16xf32>,
        %parallel_loop3A_250 = vector.shape_cast %parallel_loop3A_249 : vector<1x16xf32> to vector<16xf32>
        %parallel_loop3A_251 = arith.index_cast %parallel_loop3A_212 : i32 to index
        %parallel_loop3A_252 = arith.constant 32 : index
        %parallel_loop3A_253 = tpu.vector_load %arg12[%parallel_loop3A_251, %parallel_loop3A_252] {strides = array<i32>} : memref<64x128xf32, #tpu.memory_space<vmem>>, vector<1x16xf32>,
        %parallel_loop3A_254 = vector.shape_cast %parallel_loop3A_253 : vector<1x16xf32> to vector<16xf32>
        %parallel_loop3A_255 = arith.addf %parallel_loop3A_250, %parallel_loop3A_254 : vector<16xf32>
        %parallel_loop3A_256 = arith.constant 0.000000e+00 : f32
        %parallel_loop3A_257 = vector.broadcast %parallel_loop3A_256 : f32 to vector<16xf32>
        %parallel_loop3A_258 = arith.maximumf %parallel_loop3A_255, %parallel_loop3A_257 : vector<16xf32>
        %parallel_loop3A_259 = arith.index_cast %parallel_loop3A_212 : i32 to index
        %parallel_loop3A_260 = arith.constant 32 : index
        %parallel_loop3A_261 = tpu.vector_load %arg10[%parallel_loop3A_259, %parallel_loop3A_260] {strides = array<i32>} : memref<64x128xf32, #tpu.memory_space<vmem>>, vector<1x16xf32>,
        %parallel_loop3A_262 = vector.shape_cast %parallel_loop3A_261 : vector<1x16xf32> to vector<16xf32>
        %parallel_loop3A_263 = vector.shape_cast %parallel_loop3A_258 : vector<16xf32> to vector<1x16xf32>
        tpu.vector_store %arg10[%parallel_loop3A_259, %parallel_loop3A_260], %parallel_loop3A_263 {strides = array<i32>} : memref<64x128xf32, #tpu.memory_space<vmem>>, vector<1x16xf32>,
        %parallel_loop3A_264 = arith.index_cast %parallel_loop3A_212 : i32 to index
        %parallel_loop3A_265 = arith.constant 48 : index
        %parallel_loop3A_266 = tpu.vector_load %arg10[%parallel_loop3A_264, %parallel_loop3A_265] {strides = array<i32>} : memref<64x128xf32, #tpu.memory_space<vmem>>, vector<1x16xf32>,
        %parallel_loop3A_267 = vector.shape_cast %parallel_loop3A_266 : vector<1x16xf32> to vector<16xf32>
        %parallel_loop3A_268 = arith.index_cast %parallel_loop3A_212 : i32 to index
        %parallel_loop3A_269 = arith.constant 48 : index
        %parallel_loop3A_270 = tpu.vector_load %arg12[%parallel_loop3A_268, %parallel_loop3A_269] {strides = array<i32>} : memref<64x128xf32, #tpu.memory_space<vmem>>, vector<1x16xf32>,
        %parallel_loop3A_271 = vector.shape_cast %parallel_loop3A_270 : vector<1x16xf32> to vector<16xf32>
        %parallel_loop3A_272 = arith.addf %parallel_loop3A_267, %parallel_loop3A_271 : vector<16xf32>
        %parallel_loop3A_273 = arith.constant 0.000000e+00 : f32
        %parallel_loop3A_274 = vector.broadcast %parallel_loop3A_273 : f32 to vector<16xf32>
        %parallel_loop3A_275 = arith.maximumf %parallel_loop3A_272, %parallel_loop3A_274 : vector<16xf32>
        %parallel_loop3A_276 = arith.index_cast %parallel_loop3A_212 : i32 to index
        %parallel_loop3A_277 = arith.constant 48 : index
        %parallel_loop3A_278 = tpu.vector_load %arg10[%parallel_loop3A_276, %parallel_loop3A_277] {strides = array<i32>} : memref<64x128xf32, #tpu.memory_space<vmem>>, vector<1x16xf32>,
        %parallel_loop3A_279 = vector.shape_cast %parallel_loop3A_278 : vector<1x16xf32> to vector<16xf32>
        %parallel_loop3A_280 = vector.shape_cast %parallel_loop3A_275 : vector<16xf32> to vector<1x16xf32>
        tpu.vector_store %arg10[%parallel_loop3A_276, %parallel_loop3A_277], %parallel_loop3A_280 {strides = array<i32>} : memref<64x128xf32, #tpu.memory_space<vmem>>, vector<1x16xf32>,
        %parallel_loop3A_281 = arith.index_cast %parallel_loop3A_212 : i32 to index
        %parallel_loop3A_282 = arith.constant 64 : index
        %parallel_loop3A_283 = tpu.vector_load %arg10[%parallel_loop3A_281, %parallel_loop3A_282] {strides = array<i32>} : memref<64x128xf32, #tpu.memory_space<vmem>>, vector<1x16xf32>,
        %parallel_loop3A_284 = vector.shape_cast %parallel_loop3A_283 : vector<1x16xf32> to vector<16xf32>
        %parallel_loop3A_285 = arith.index_cast %parallel_loop3A_212 : i32 to index
        %parallel_loop3A_286 = arith.constant 64 : index
        %parallel_loop3A_287 = tpu.vector_load %arg12[%parallel_loop3A_285, %parallel_loop3A_286] {strides = array<i32>} : memref<64x128xf32, #tpu.memory_space<vmem>>, vector<1x16xf32>,
        %parallel_loop3A_288 = vector.shape_cast %parallel_loop3A_287 : vector<1x16xf32> to vector<16xf32>
        %parallel_loop3A_289 = arith.addf %parallel_loop3A_284, %parallel_loop3A_288 : vector<16xf32>
        %parallel_loop3A_290 = arith.constant 0.000000e+00 : f32
        %parallel_loop3A_291 = vector.broadcast %parallel_loop3A_290 : f32 to vector<16xf32>
        %parallel_loop3A_292 = arith.maximumf %parallel_loop3A_289, %parallel_loop3A_291 : vector<16xf32>
        %parallel_loop3A_293 = arith.index_cast %parallel_loop3A_212 : i32 to index
        %parallel_loop3A_294 = arith.constant 64 : index
        %parallel_loop3A_295 = tpu.vector_load %arg10[%parallel_loop3A_293, %parallel_loop3A_294] {strides = array<i32>} : memref<64x128xf32, #tpu.memory_space<vmem>>, vector<1x16xf32>,
        %parallel_loop3A_296 = vector.shape_cast %parallel_loop3A_295 : vector<1x16xf32> to vector<16xf32>
        %parallel_loop3A_297 = vector.shape_cast %parallel_loop3A_292 : vector<16xf32> to vector<1x16xf32>
        tpu.vector_store %arg10[%parallel_loop3A_293, %parallel_loop3A_294], %parallel_loop3A_297 {strides = array<i32>} : memref<64x128xf32, #tpu.memory_space<vmem>>, vector<1x16xf32>,
        %parallel_loop3A_298 = arith.index_cast %parallel_loop3A_212 : i32 to index
        %parallel_loop3A_299 = arith.constant 80 : index
        %parallel_loop3A_300 = tpu.vector_load %arg10[%parallel_loop3A_298, %parallel_loop3A_299] {strides = array<i32>} : memref<64x128xf32, #tpu.memory_space<vmem>>, vector<1x16xf32>,
        %parallel_loop3A_301 = vector.shape_cast %parallel_loop3A_300 : vector<1x16xf32> to vector<16xf32>
        %parallel_loop3A_302 = arith.index_cast %parallel_loop3A_212 : i32 to index
        %parallel_loop3A_303 = arith.constant 80 : index
        %parallel_loop3A_304 = tpu.vector_load %arg12[%parallel_loop3A_302, %parallel_loop3A_303] {strides = array<i32>} : memref<64x128xf32, #tpu.memory_space<vmem>>, vector<1x16xf32>,
        %parallel_loop3A_305 = vector.shape_cast %parallel_loop3A_304 : vector<1x16xf32> to vector<16xf32>
        %parallel_loop3A_306 = arith.addf %parallel_loop3A_301, %parallel_loop3A_305 : vector<16xf32>
        %parallel_loop3A_307 = arith.constant 0.000000e+00 : f32
        %parallel_loop3A_308 = vector.broadcast %parallel_loop3A_307 : f32 to vector<16xf32>
        %parallel_loop3A_309 = arith.maximumf %parallel_loop3A_306, %parallel_loop3A_308 : vector<16xf32>
        %parallel_loop3A_310 = arith.index_cast %parallel_loop3A_212 : i32 to index
        %parallel_loop3A_311 = arith.constant 80 : index
        %parallel_loop3A_312 = tpu.vector_load %arg10[%parallel_loop3A_310, %parallel_loop3A_311] {strides = array<i32>} : memref<64x128xf32, #tpu.memory_space<vmem>>, vector<1x16xf32>,
        %parallel_loop3A_313 = vector.shape_cast %parallel_loop3A_312 : vector<1x16xf32> to vector<16xf32>
        %parallel_loop3A_314 = vector.shape_cast %parallel_loop3A_309 : vector<16xf32> to vector<1x16xf32>
        tpu.vector_store %arg10[%parallel_loop3A_310, %parallel_loop3A_311], %parallel_loop3A_314 {strides = array<i32>} : memref<64x128xf32, #tpu.memory_space<vmem>>, vector<1x16xf32>,
        %parallel_loop3A_315 = arith.index_cast %parallel_loop3A_212 : i32 to index
        %parallel_loop3A_316 = arith.constant 96 : index
        %parallel_loop3A_317 = tpu.vector_load %arg10[%parallel_loop3A_315, %parallel_loop3A_316] {strides = array<i32>} : memref<64x128xf32, #tpu.memory_space<vmem>>, vector<1x16xf32>,
        %parallel_loop3A_318 = vector.shape_cast %parallel_loop3A_317 : vector<1x16xf32> to vector<16xf32>
        %parallel_loop3A_319 = arith.index_cast %parallel_loop3A_212 : i32 to index
        %parallel_loop3A_320 = arith.constant 96 : index
        %parallel_loop3A_321 = tpu.vector_load %arg12[%parallel_loop3A_319, %parallel_loop3A_320] {strides = array<i32>} : memref<64x128xf32, #tpu.memory_space<vmem>>, vector<1x16xf32>,
        %parallel_loop3A_322 = vector.shape_cast %parallel_loop3A_321 : vector<1x16xf32> to vector<16xf32>
        %parallel_loop3A_323 = arith.addf %parallel_loop3A_318, %parallel_loop3A_322 : vector<16xf32>
        %parallel_loop3A_324 = arith.constant 0.000000e+00 : f32
        %parallel_loop3A_325 = vector.broadcast %parallel_loop3A_324 : f32 to vector<16xf32>
        %parallel_loop3A_326 = arith.maximumf %parallel_loop3A_323, %parallel_loop3A_325 : vector<16xf32>
        %parallel_loop3A_327 = arith.index_cast %parallel_loop3A_212 : i32 to index
        %parallel_loop3A_328 = arith.constant 96 : index
        %parallel_loop3A_329 = tpu.vector_load %arg10[%parallel_loop3A_327, %parallel_loop3A_328] {strides = array<i32>} : memref<64x128xf32, #tpu.memory_space<vmem>>, vector<1x16xf32>,
        %parallel_loop3A_330 = vector.shape_cast %parallel_loop3A_329 : vector<1x16xf32> to vector<16xf32>
        %parallel_loop3A_331 = vector.shape_cast %parallel_loop3A_326 : vector<16xf32> to vector<1x16xf32>
        tpu.vector_store %arg10[%parallel_loop3A_327, %parallel_loop3A_328], %parallel_loop3A_331 {strides = array<i32>} : memref<64x128xf32, #tpu.memory_space<vmem>>, vector<1x16xf32>,
        %parallel_loop3A_332 = arith.index_cast %parallel_loop3A_212 : i32 to index
        %parallel_loop3A_333 = arith.constant 112 : index
        %parallel_loop3A_334 = tpu.vector_load %arg10[%parallel_loop3A_332, %parallel_loop3A_333] {strides = array<i32>} : memref<64x128xf32, #tpu.memory_space<vmem>>, vector<1x16xf32>,
        %parallel_loop3A_335 = vector.shape_cast %parallel_loop3A_334 : vector<1x16xf32> to vector<16xf32>
        %parallel_loop3A_336 = arith.index_cast %parallel_loop3A_212 : i32 to index
        %parallel_loop3A_337 = arith.constant 112 : index
        %parallel_loop3A_338 = tpu.vector_load %arg12[%parallel_loop3A_336, %parallel_loop3A_337] {strides = array<i32>} : memref<64x128xf32, #tpu.memory_space<vmem>>, vector<1x16xf32>,
        %parallel_loop3A_339 = vector.shape_cast %parallel_loop3A_338 : vector<1x16xf32> to vector<16xf32>
        %parallel_loop3A_340 = arith.addf %parallel_loop3A_335, %parallel_loop3A_339 : vector<16xf32>
        %parallel_loop3A_341 = arith.constant 0.000000e+00 : f32
        %parallel_loop3A_342 = vector.broadcast %parallel_loop3A_341 : f32 to vector<16xf32>
        %parallel_loop3A_343 = arith.maximumf %parallel_loop3A_340, %parallel_loop3A_342 : vector<16xf32>
        %parallel_loop3A_344 = arith.index_cast %parallel_loop3A_212 : i32 to index
        %parallel_loop3A_345 = arith.constant 112 : index
        %parallel_loop3A_346 = tpu.vector_load %arg10[%parallel_loop3A_344, %parallel_loop3A_345] {strides = array<i32>} : memref<64x128xf32, #tpu.memory_space<vmem>>, vector<1x16xf32>,
        %parallel_loop3A_347 = vector.shape_cast %parallel_loop3A_346 : vector<1x16xf32> to vector<16xf32>
        %parallel_loop3A_348 = vector.shape_cast %parallel_loop3A_343 : vector<16xf32> to vector<1x16xf32>
        tpu.vector_store %arg10[%parallel_loop3A_344, %parallel_loop3A_345], %parallel_loop3A_348 {strides = array<i32>} : memref<64x128xf32, #tpu.memory_space<vmem>>, vector<1x16xf32>,
      } {sc.loop_unroll_factor = 4 : i64, sc.parallel_access}
      %run_scoped3A_200 = arith.constant 1 : i32
      "tpu.region"() ({
        %run_scoped3A_212 = tpu.sem_alloc : memref<!tpu.dma_semaphore, #tpu.memory_space<semaphore_mem>>
        %dma_start3A_213 = arith.constant 0 : i32
        %dma_start3A_214 = tpu.memref_slice %arg8[%run_scoped3A_200, %dma_start3A_213] : memref<2x64xi32, #tpu.memory_space<vmem>> -> memref<1x64xi32, #tpu.memory_space<vmem>>
        %dma_start3A_215 = tpu.memref_squeeze %dma_start3A_214 : memref<1x64xi32, #tpu.memory_space<vmem>> -> memref<64xi32, #tpu.memory_space<vmem>>
        %dma_start3A_216 = arith.constant 0 : i32
        %dma_start3A_217 = arith.constant 0 : i32
        %dma_start3A_218 = tpu.memref_slice %arg13[%dma_start3A_216, %dma_start3A_217] : memref<10008x128xf32, #tpu.memory_space<vmem_shared>> -> memref<10008x128xf32, #tpu.memory_space<vmem_shared>>
        tpu.enqueue_indirect_dma source(%arg10 : memref<64x128xf32, #tpu.memory_space<vmem>>) target(%dma_start3A_218 : memref<10008x128xf32, #tpu.memory_space<vmem_shared>>) offsets(%dma_start3A_215 : memref<64xi32, #tpu.memory_space<vmem>>) semaphore(%run_scoped3A_212 : memref<!tpu.dma_semaphore, #tpu.memory_space<semaphore_mem>>) {add = true}
        %dma_wait3A_219 = arith.constant 0 : i32
        %dma_wait3A_220 = tpu.memref_slice %arg8[%run_scoped3A_200, %dma_wait3A_219] : memref<2x64xi32, #tpu.memory_space<vmem>> -> memref<1x64xi32, #tpu.memory_space<vmem>>
        %dma_wait3A_221 = tpu.memref_squeeze %dma_wait3A_220 : memref<1x64xi32, #tpu.memory_space<vmem>> -> memref<64xi32, #tpu.memory_space<vmem>>
        %dma_wait3A_222 = arith.constant 0 : i32
        %dma_wait3A_223 = arith.constant 0 : i32
        %dma_wait3A_224 = tpu.memref_slice %arg13[%dma_wait3A_222, %dma_wait3A_223] : memref<10008x128xf32, #tpu.memory_space<vmem_shared>> -> memref<10008x128xf32, #tpu.memory_space<vmem_shared>>
        tpu.wait_indirect_dma semaphore(%run_scoped3A_212 : memref<!tpu.dma_semaphore, #tpu.memory_space<semaphore_mem>>) src(%arg10 : memref<64x128xf32, #tpu.memory_space<vmem>>) dst(%dma_wait3A_224 : memref<10008x128xf32, #tpu.memory_space<vmem_shared>>)
        tpu.yield
      }) : () -> ()
      %add3A_201 = arith.constant 2 : i32
      %add3A_202 = arith.addi %add3A_157, %add3A_201 : i32
      %add3A_203 = arith.addi %mul3A_9, %add3A_202 : i32
      %dma_start3A_204 = arith.constant 0 : i32
      %dma_start3A_205 = arith.constant 0 : i32
      %dma_start3A_206 = tpu.memref_slice %arg4[%add3A_203, %dma_start3A_204, %dma_start3A_205] : memref<10048x2x64xi32, #tpu.memory_space<hbm>> -> memref<1x2x64xi32, #tpu.memory_space<hbm>>
      %dma_start3A_207 = tpu.memref_squeeze %dma_start3A_206 : memref<1x2x64xi32, #tpu.memory_space<hbm>> -> memref<2x64xi32, #tpu.memory_space<hbm>>
      %dma_start3A_208 = arith.constant 0 : i32
      %dma_start3A_209 = arith.constant 0 : i32
      %dma_start3A_210 = tpu.memref_slice %arg4[%add3A_203, %dma_start3A_208, %dma_start3A_209] : memref<10048x2x64xi32, #tpu.memory_space<hbm>> -> memref<1x2x64xi32, #tpu.memory_space<hbm>>
      %dma_start3A_211 = tpu.memref_squeeze %dma_start3A_210 : memref<1x2x64xi32, #tpu.memory_space<hbm>> -> memref<2x64xi32, #tpu.memory_space<hbm>>
      tpu.enqueue_dma source(%dma_start3A_211 : memref<2x64xi32, #tpu.memory_space<hbm>>) target(%arg8 : memref<2x64xi32, #tpu.memory_space<vmem>>) target_semaphore(%arg15 : memref<!tpu.dma_semaphore, #tpu.memory_space<semaphore_mem>>)
    }
    %scan3A_61 = arith.constant 156 : i32
    %dma_wait3A_62 = arith.constant 0 : i32
    %dma_wait3A_63 = arith.constant 0 : i32
    %dma_wait3A_64 = tpu.memref_slice %arg3[%dma_wait3A_62, %dma_wait3A_63] : memref<640000x128xf32, #tpu.memory_space<hbm>> -> memref<64x128xf32, #tpu.memory_space<hbm>>
    %dma_wait3A_65 = arith.constant 0 : i32
    %dma_wait3A_66 = arith.constant 0 : i32
    %dma_wait3A_67 = tpu.memref_slice %arg3[%dma_wait3A_65, %dma_wait3A_66] : memref<640000x128xf32, #tpu.memory_space<hbm>> -> memref<64x128xf32, #tpu.memory_space<hbm>>
    tpu.wait_dma2 semaphore(%arg16 : memref<!tpu.dma_semaphore, #tpu.memory_space<semaphore_mem>>) src(%dma_wait3A_67 : memref<64x128xf32, #tpu.memory_space<hbm>>) dst(%arg9 : memref<64x128xf32, #tpu.memory_space<vmem>>)
    %dma_wait3A_68 = arith.constant 0 : i32
    %dma_wait3A_69 = arith.constant 0 : i32
    %dma_wait3A_70 = tpu.memref_slice %arg2[%dma_wait3A_68, %dma_wait3A_69] : memref<20000x128xf32, #tpu.memory_space<hbm>> -> memref<64x128xf32, #tpu.memory_space<hbm>>
    %dma_wait3A_71 = arith.constant 0 : i32
    %dma_wait3A_72 = arith.constant 0 : i32
    %dma_wait3A_73 = tpu.memref_slice %arg2[%dma_wait3A_71, %dma_wait3A_72] : memref<20000x128xf32, #tpu.memory_space<hbm>> -> memref<64x128xf32, #tpu.memory_space<hbm>>
    tpu.wait_dma2 semaphore(%arg18 : memref<!tpu.dma_semaphore, #tpu.memory_space<semaphore_mem>>) src(%dma_wait3A_73 : memref<64x128xf32, #tpu.memory_space<hbm>>) dst(%arg11 : memref<64x128xf32, #tpu.memory_space<vmem>>)
    %parallel_loop3A = arith.constant 0 : i32
    %parallel_loop3A_74 = arith.constant 64 : i32
    %parallel_loop3A_75 = arith.constant 1 : i32
    scf.for %parallel_loop3A_97 = %parallel_loop3A to %parallel_loop3A_74 step %parallel_loop3A_75  : i32 {
      %parallel_loop3A_98 = arith.index_cast %parallel_loop3A_97 : i32 to index
      %parallel_loop3A_99 = arith.constant 0 : index
      %parallel_loop3A_100 = tpu.vector_load %arg9[%parallel_loop3A_98, %parallel_loop3A_99] {strides = array<i32>} : memref<64x128xf32, #tpu.memory_space<vmem>>, vector<1x16xf32>,
      %parallel_loop3A_101 = vector.shape_cast %parallel_loop3A_100 : vector<1x16xf32> to vector<16xf32>
      %parallel_loop3A_102 = arith.index_cast %parallel_loop3A_97 : i32 to index
      %parallel_loop3A_103 = arith.constant 0 : index
      %parallel_loop3A_104 = tpu.vector_load %arg11[%parallel_loop3A_102, %parallel_loop3A_103] {strides = array<i32>} : memref<64x128xf32, #tpu.memory_space<vmem>>, vector<1x16xf32>,
      %parallel_loop3A_105 = vector.shape_cast %parallel_loop3A_104 : vector<1x16xf32> to vector<16xf32>
      %parallel_loop3A_106 = arith.addf %parallel_loop3A_101, %parallel_loop3A_105 : vector<16xf32>
      %parallel_loop3A_107 = arith.constant 0.000000e+00 : f32
      %parallel_loop3A_108 = vector.broadcast %parallel_loop3A_107 : f32 to vector<16xf32>
      %parallel_loop3A_109 = arith.maximumf %parallel_loop3A_106, %parallel_loop3A_108 : vector<16xf32>
      %parallel_loop3A_110 = arith.index_cast %parallel_loop3A_97 : i32 to index
      %parallel_loop3A_111 = arith.constant 0 : index
      %parallel_loop3A_112 = tpu.vector_load %arg9[%parallel_loop3A_110, %parallel_loop3A_111] {strides = array<i32>} : memref<64x128xf32, #tpu.memory_space<vmem>>, vector<1x16xf32>,
      %parallel_loop3A_113 = vector.shape_cast %parallel_loop3A_112 : vector<1x16xf32> to vector<16xf32>
      %parallel_loop3A_114 = vector.shape_cast %parallel_loop3A_109 : vector<16xf32> to vector<1x16xf32>
      tpu.vector_store %arg9[%parallel_loop3A_110, %parallel_loop3A_111], %parallel_loop3A_114 {strides = array<i32>} : memref<64x128xf32, #tpu.memory_space<vmem>>, vector<1x16xf32>,
      %parallel_loop3A_115 = arith.index_cast %parallel_loop3A_97 : i32 to index
      %parallel_loop3A_116 = arith.constant 16 : index
      %parallel_loop3A_117 = tpu.vector_load %arg9[%parallel_loop3A_115, %parallel_loop3A_116] {strides = array<i32>} : memref<64x128xf32, #tpu.memory_space<vmem>>, vector<1x16xf32>,
      %parallel_loop3A_118 = vector.shape_cast %parallel_loop3A_117 : vector<1x16xf32> to vector<16xf32>
      %parallel_loop3A_119 = arith.index_cast %parallel_loop3A_97 : i32 to index
      %parallel_loop3A_120 = arith.constant 16 : index
      %parallel_loop3A_121 = tpu.vector_load %arg11[%parallel_loop3A_119, %parallel_loop3A_120] {strides = array<i32>} : memref<64x128xf32, #tpu.memory_space<vmem>>, vector<1x16xf32>,
      %parallel_loop3A_122 = vector.shape_cast %parallel_loop3A_121 : vector<1x16xf32> to vector<16xf32>
      %parallel_loop3A_123 = arith.addf %parallel_loop3A_118, %parallel_loop3A_122 : vector<16xf32>
      %parallel_loop3A_124 = arith.constant 0.000000e+00 : f32
      %parallel_loop3A_125 = vector.broadcast %parallel_loop3A_124 : f32 to vector<16xf32>
      %parallel_loop3A_126 = arith.maximumf %parallel_loop3A_123, %parallel_loop3A_125 : vector<16xf32>
      %parallel_loop3A_127 = arith.index_cast %parallel_loop3A_97 : i32 to index
      %parallel_loop3A_128 = arith.constant 16 : index
      %parallel_loop3A_129 = tpu.vector_load %arg9[%parallel_loop3A_127, %parallel_loop3A_128] {strides = array<i32>} : memref<64x128xf32, #tpu.memory_space<vmem>>, vector<1x16xf32>,
      %parallel_loop3A_130 = vector.shape_cast %parallel_loop3A_129 : vector<1x16xf32> to vector<16xf32>
      %parallel_loop3A_131 = vector.shape_cast %parallel_loop3A_126 : vector<16xf32> to vector<1x16xf32>
      tpu.vector_store %arg9[%parallel_loop3A_127, %parallel_loop3A_128], %parallel_loop3A_131 {strides = array<i32>} : memref<64x128xf32, #tpu.memory_space<vmem>>, vector<1x16xf32>,
      %parallel_loop3A_132 = arith.index_cast %parallel_loop3A_97 : i32 to index
      %parallel_loop3A_133 = arith.constant 32 : index
      %parallel_loop3A_134 = tpu.vector_load %arg9[%parallel_loop3A_132, %parallel_loop3A_133] {strides = array<i32>} : memref<64x128xf32, #tpu.memory_space<vmem>>, vector<1x16xf32>,
      %parallel_loop3A_135 = vector.shape_cast %parallel_loop3A_134 : vector<1x16xf32> to vector<16xf32>
      %parallel_loop3A_136 = arith.index_cast %parallel_loop3A_97 : i32 to index
      %parallel_loop3A_137 = arith.constant 32 : index
      %parallel_loop3A_138 = tpu.vector_load %arg11[%parallel_loop3A_136, %parallel_loop3A_137] {strides = array<i32>} : memref<64x128xf32, #tpu.memory_space<vmem>>, vector<1x16xf32>,
      %parallel_loop3A_139 = vector.shape_cast %parallel_loop3A_138 : vector<1x16xf32> to vector<16xf32>
      %parallel_loop3A_140 = arith.addf %parallel_loop3A_135, %parallel_loop3A_139 : vector<16xf32>
      %parallel_loop3A_141 = arith.constant 0.000000e+00 : f32
      %parallel_loop3A_142 = vector.broadcast %parallel_loop3A_141 : f32 to vector<16xf32>
      %parallel_loop3A_143 = arith.maximumf %parallel_loop3A_140, %parallel_loop3A_142 : vector<16xf32>
      %parallel_loop3A_144 = arith.index_cast %parallel_loop3A_97 : i32 to index
      %parallel_loop3A_145 = arith.constant 32 : index
      %parallel_loop3A_146 = tpu.vector_load %arg9[%parallel_loop3A_144, %parallel_loop3A_145] {strides = array<i32>} : memref<64x128xf32, #tpu.memory_space<vmem>>, vector<1x16xf32>,
      %parallel_loop3A_147 = vector.shape_cast %parallel_loop3A_146 : vector<1x16xf32> to vector<16xf32>
      %parallel_loop3A_148 = vector.shape_cast %parallel_loop3A_143 : vector<16xf32> to vector<1x16xf32>
      tpu.vector_store %arg9[%parallel_loop3A_144, %parallel_loop3A_145], %parallel_loop3A_148 {strides = array<i32>} : memref<64x128xf32, #tpu.memory_space<vmem>>, vector<1x16xf32>,
      %parallel_loop3A_149 = arith.index_cast %parallel_loop3A_97 : i32 to index
      %parallel_loop3A_150 = arith.constant 48 : index
      %parallel_loop3A_151 = tpu.vector_load %arg9[%parallel_loop3A_149, %parallel_loop3A_150] {strides = array<i32>} : memref<64x128xf32, #tpu.memory_space<vmem>>, vector<1x16xf32>,
      %parallel_loop3A_152 = vector.shape_cast %parallel_loop3A_151 : vector<1x16xf32> to vector<16xf32>
      %parallel_loop3A_153 = arith.index_cast %parallel_loop3A_97 : i32 to index
      %parallel_loop3A_154 = arith.constant 48 : index
      %parallel_loop3A_155 = tpu.vector_load %arg11[%parallel_loop3A_153, %parallel_loop3A_154] {strides = array<i32>} : memref<64x128xf32, #tpu.memory_space<vmem>>, vector<1x16xf32>,
      %parallel_loop3A_156 = vector.shape_cast %parallel_loop3A_155 : vector<1x16xf32> to vector<16xf32>
      %parallel_loop3A_157 = arith.addf %parallel_loop3A_152, %parallel_loop3A_156 : vector<16xf32>
      %parallel_loop3A_158 = arith.constant 0.000000e+00 : f32
      %parallel_loop3A_159 = vector.broadcast %parallel_loop3A_158 : f32 to vector<16xf32>
      %parallel_loop3A_160 = arith.maximumf %parallel_loop3A_157, %parallel_loop3A_159 : vector<16xf32>
      %parallel_loop3A_161 = arith.index_cast %parallel_loop3A_97 : i32 to index
      %parallel_loop3A_162 = arith.constant 48 : index
      %parallel_loop3A_163 = tpu.vector_load %arg9[%parallel_loop3A_161, %parallel_loop3A_162] {strides = array<i32>} : memref<64x128xf32, #tpu.memory_space<vmem>>, vector<1x16xf32>,
      %parallel_loop3A_164 = vector.shape_cast %parallel_loop3A_163 : vector<1x16xf32> to vector<16xf32>
      %parallel_loop3A_165 = vector.shape_cast %parallel_loop3A_160 : vector<16xf32> to vector<1x16xf32>
      tpu.vector_store %arg9[%parallel_loop3A_161, %parallel_loop3A_162], %parallel_loop3A_165 {strides = array<i32>} : memref<64x128xf32, #tpu.memory_space<vmem>>, vector<1x16xf32>,
      %parallel_loop3A_166 = arith.index_cast %parallel_loop3A_97 : i32 to index
      %parallel_loop3A_167 = arith.constant 64 : index
      %parallel_loop3A_168 = tpu.vector_load %arg9[%parallel_loop3A_166, %parallel_loop3A_167] {strides = array<i32>} : memref<64x128xf32, #tpu.memory_space<vmem>>, vector<1x16xf32>,
      %parallel_loop3A_169 = vector.shape_cast %parallel_loop3A_168 : vector<1x16xf32> to vector<16xf32>
      %parallel_loop3A_170 = arith.index_cast %parallel_loop3A_97 : i32 to index
      %parallel_loop3A_171 = arith.constant 64 : index
      %parallel_loop3A_172 = tpu.vector_load %arg11[%parallel_loop3A_170, %parallel_loop3A_171] {strides = array<i32>} : memref<64x128xf32, #tpu.memory_space<vmem>>, vector<1x16xf32>,
      %parallel_loop3A_173 = vector.shape_cast %parallel_loop3A_172 : vector<1x16xf32> to vector<16xf32>
      %parallel_loop3A_174 = arith.addf %parallel_loop3A_169, %parallel_loop3A_173 : vector<16xf32>
      %parallel_loop3A_175 = arith.constant 0.000000e+00 : f32
      %parallel_loop3A_176 = vector.broadcast %parallel_loop3A_175 : f32 to vector<16xf32>
      %parallel_loop3A_177 = arith.maximumf %parallel_loop3A_174, %parallel_loop3A_176 : vector<16xf32>
      %parallel_loop3A_178 = arith.index_cast %parallel_loop3A_97 : i32 to index
      %parallel_loop3A_179 = arith.constant 64 : index
      %parallel_loop3A_180 = tpu.vector_load %arg9[%parallel_loop3A_178, %parallel_loop3A_179] {strides = array<i32>} : memref<64x128xf32, #tpu.memory_space<vmem>>, vector<1x16xf32>,
      %parallel_loop3A_181 = vector.shape_cast %parallel_loop3A_180 : vector<1x16xf32> to vector<16xf32>
      %parallel_loop3A_182 = vector.shape_cast %parallel_loop3A_177 : vector<16xf32> to vector<1x16xf32>
      tpu.vector_store %arg9[%parallel_loop3A_178, %parallel_loop3A_179], %parallel_loop3A_182 {strides = array<i32>} : memref<64x128xf32, #tpu.memory_space<vmem>>, vector<1x16xf32>,
      %parallel_loop3A_183 = arith.index_cast %parallel_loop3A_97 : i32 to index
      %parallel_loop3A_184 = arith.constant 80 : index
      %parallel_loop3A_185 = tpu.vector_load %arg9[%parallel_loop3A_183, %parallel_loop3A_184] {strides = array<i32>} : memref<64x128xf32, #tpu.memory_space<vmem>>, vector<1x16xf32>,
      %parallel_loop3A_186 = vector.shape_cast %parallel_loop3A_185 : vector<1x16xf32> to vector<16xf32>
      %parallel_loop3A_187 = arith.index_cast %parallel_loop3A_97 : i32 to index
      %parallel_loop3A_188 = arith.constant 80 : index
      %parallel_loop3A_189 = tpu.vector_load %arg11[%parallel_loop3A_187, %parallel_loop3A_188] {strides = array<i32>} : memref<64x128xf32, #tpu.memory_space<vmem>>, vector<1x16xf32>,
      %parallel_loop3A_190 = vector.shape_cast %parallel_loop3A_189 : vector<1x16xf32> to vector<16xf32>
      %parallel_loop3A_191 = arith.addf %parallel_loop3A_186, %parallel_loop3A_190 : vector<16xf32>
      %parallel_loop3A_192 = arith.constant 0.000000e+00 : f32
      %parallel_loop3A_193 = vector.broadcast %parallel_loop3A_192 : f32 to vector<16xf32>
      %parallel_loop3A_194 = arith.maximumf %parallel_loop3A_191, %parallel_loop3A_193 : vector<16xf32>
      %parallel_loop3A_195 = arith.index_cast %parallel_loop3A_97 : i32 to index
      %parallel_loop3A_196 = arith.constant 80 : index
      %parallel_loop3A_197 = tpu.vector_load %arg9[%parallel_loop3A_195, %parallel_loop3A_196] {strides = array<i32>} : memref<64x128xf32, #tpu.memory_space<vmem>>, vector<1x16xf32>,
      %parallel_loop3A_198 = vector.shape_cast %parallel_loop3A_197 : vector<1x16xf32> to vector<16xf32>
      %parallel_loop3A_199 = vector.shape_cast %parallel_loop3A_194 : vector<16xf32> to vector<1x16xf32>
      tpu.vector_store %arg9[%parallel_loop3A_195, %parallel_loop3A_196], %parallel_loop3A_199 {strides = array<i32>} : memref<64x128xf32, #tpu.memory_space<vmem>>, vector<1x16xf32>,
      %parallel_loop3A_200 = arith.index_cast %parallel_loop3A_97 : i32 to index
      %parallel_loop3A_201 = arith.constant 96 : index
      %parallel_loop3A_202 = tpu.vector_load %arg9[%parallel_loop3A_200, %parallel_loop3A_201] {strides = array<i32>} : memref<64x128xf32, #tpu.memory_space<vmem>>, vector<1x16xf32>,
      %parallel_loop3A_203 = vector.shape_cast %parallel_loop3A_202 : vector<1x16xf32> to vector<16xf32>
      %parallel_loop3A_204 = arith.index_cast %parallel_loop3A_97 : i32 to index
      %parallel_loop3A_205 = arith.constant 96 : index
      %parallel_loop3A_206 = tpu.vector_load %arg11[%parallel_loop3A_204, %parallel_loop3A_205] {strides = array<i32>} : memref<64x128xf32, #tpu.memory_space<vmem>>, vector<1x16xf32>,
      %parallel_loop3A_207 = vector.shape_cast %parallel_loop3A_206 : vector<1x16xf32> to vector<16xf32>
      %parallel_loop3A_208 = arith.addf %parallel_loop3A_203, %parallel_loop3A_207 : vector<16xf32>
      %parallel_loop3A_209 = arith.constant 0.000000e+00 : f32
      %parallel_loop3A_210 = vector.broadcast %parallel_loop3A_209 : f32 to vector<16xf32>
      %parallel_loop3A_211 = arith.maximumf %parallel_loop3A_208, %parallel_loop3A_210 : vector<16xf32>
      %parallel_loop3A_212 = arith.index_cast %parallel_loop3A_97 : i32 to index
      %parallel_loop3A_213 = arith.constant 96 : index
      %parallel_loop3A_214 = tpu.vector_load %arg9[%parallel_loop3A_212, %parallel_loop3A_213] {strides = array<i32>} : memref<64x128xf32, #tpu.memory_space<vmem>>, vector<1x16xf32>,
      %parallel_loop3A_215 = vector.shape_cast %parallel_loop3A_214 : vector<1x16xf32> to vector<16xf32>
      %parallel_loop3A_216 = vector.shape_cast %parallel_loop3A_211 : vector<16xf32> to vector<1x16xf32>
      tpu.vector_store %arg9[%parallel_loop3A_212, %parallel_loop3A_213], %parallel_loop3A_216 {strides = array<i32>} : memref<64x128xf32, #tpu.memory_space<vmem>>, vector<1x16xf32>,
      %parallel_loop3A_217 = arith.index_cast %parallel_loop3A_97 : i32 to index
      %parallel_loop3A_218 = arith.constant 112 : index
      %parallel_loop3A_219 = tpu.vector_load %arg9[%parallel_loop3A_217, %parallel_loop3A_218] {strides = array<i32>} : memref<64x128xf32, #tpu.memory_space<vmem>>, vector<1x16xf32>,
      %parallel_loop3A_220 = vector.shape_cast %parallel_loop3A_219 : vector<1x16xf32> to vector<16xf32>
      %parallel_loop3A_221 = arith.index_cast %parallel_loop3A_97 : i32 to index
      %parallel_loop3A_222 = arith.constant 112 : index
      %parallel_loop3A_223 = tpu.vector_load %arg11[%parallel_loop3A_221, %parallel_loop3A_222] {strides = array<i32>} : memref<64x128xf32, #tpu.memory_space<vmem>>, vector<1x16xf32>,
      %parallel_loop3A_224 = vector.shape_cast %parallel_loop3A_223 : vector<1x16xf32> to vector<16xf32>
      %parallel_loop3A_225 = arith.addf %parallel_loop3A_220, %parallel_loop3A_224 : vector<16xf32>
      %parallel_loop3A_226 = arith.constant 0.000000e+00 : f32
      %parallel_loop3A_227 = vector.broadcast %parallel_loop3A_226 : f32 to vector<16xf32>
      %parallel_loop3A_228 = arith.maximumf %parallel_loop3A_225, %parallel_loop3A_227 : vector<16xf32>
      %parallel_loop3A_229 = arith.index_cast %parallel_loop3A_97 : i32 to index
      %parallel_loop3A_230 = arith.constant 112 : index
      %parallel_loop3A_231 = tpu.vector_load %arg9[%parallel_loop3A_229, %parallel_loop3A_230] {strides = array<i32>} : memref<64x128xf32, #tpu.memory_space<vmem>>, vector<1x16xf32>,
      %parallel_loop3A_232 = vector.shape_cast %parallel_loop3A_231 : vector<1x16xf32> to vector<16xf32>
      %parallel_loop3A_233 = vector.shape_cast %parallel_loop3A_228 : vector<16xf32> to vector<1x16xf32>
      tpu.vector_store %arg9[%parallel_loop3A_229, %parallel_loop3A_230], %parallel_loop3A_233 {strides = array<i32>} : memref<64x128xf32, #tpu.memory_space<vmem>>, vector<1x16xf32>,
    } {sc.loop_unroll_factor = 4 : i64, sc.parallel_access}
    %run_scoped3A = arith.constant 1 : i32
    "tpu.region"() ({
      %run_scoped3A_97 = tpu.sem_alloc : memref<!tpu.dma_semaphore, #tpu.memory_space<semaphore_mem>>
      %dma_start3A_98 = arith.constant 0 : i32
      %dma_start3A_99 = tpu.memref_slice %arg7[%run_scoped3A, %dma_start3A_98] : memref<2x64xi32, #tpu.memory_space<vmem>> -> memref<1x64xi32, #tpu.memory_space<vmem>>
      %dma_start3A_100 = tpu.memref_squeeze %dma_start3A_99 : memref<1x64xi32, #tpu.memory_space<vmem>> -> memref<64xi32, #tpu.memory_space<vmem>>
      %dma_start3A_101 = arith.constant 0 : i32
      %dma_start3A_102 = arith.constant 0 : i32
      %dma_start3A_103 = tpu.memref_slice %arg13[%dma_start3A_101, %dma_start3A_102] : memref<10008x128xf32, #tpu.memory_space<vmem_shared>> -> memref<10008x128xf32, #tpu.memory_space<vmem_shared>>
      tpu.enqueue_indirect_dma source(%arg9 : memref<64x128xf32, #tpu.memory_space<vmem>>) target(%dma_start3A_103 : memref<10008x128xf32, #tpu.memory_space<vmem_shared>>) offsets(%dma_start3A_100 : memref<64xi32, #tpu.memory_space<vmem>>) semaphore(%run_scoped3A_97 : memref<!tpu.dma_semaphore, #tpu.memory_space<semaphore_mem>>) {add = true}
      %dma_wait3A_104 = arith.constant 0 : i32
      %dma_wait3A_105 = tpu.memref_slice %arg7[%run_scoped3A, %dma_wait3A_104] : memref<2x64xi32, #tpu.memory_space<vmem>> -> memref<1x64xi32, #tpu.memory_space<vmem>>
      %dma_wait3A_106 = tpu.memref_squeeze %dma_wait3A_105 : memref<1x64xi32, #tpu.memory_space<vmem>> -> memref<64xi32, #tpu.memory_space<vmem>>
      %dma_wait3A_107 = arith.constant 0 : i32
      %dma_wait3A_108 = arith.constant 0 : i32
      %dma_wait3A_109 = tpu.memref_slice %arg13[%dma_wait3A_107, %dma_wait3A_108] : memref<10008x128xf32, #tpu.memory_space<vmem_shared>> -> memref<10008x128xf32, #tpu.memory_space<vmem_shared>>
      tpu.wait_indirect_dma semaphore(%run_scoped3A_97 : memref<!tpu.dma_semaphore, #tpu.memory_space<semaphore_mem>>) src(%arg9 : memref<64x128xf32, #tpu.memory_space<vmem>>) dst(%dma_wait3A_109 : memref<10008x128xf32, #tpu.memory_space<vmem_shared>>)
      tpu.yield
    }) : () -> ()
    %dma_wait3A_76 = arith.constant 0 : i32
    %dma_wait3A_77 = arith.constant 0 : i32
    %dma_wait3A_78 = arith.constant 0 : i32
    %dma_wait3A_79 = tpu.memref_slice %arg4[%dma_wait3A_76, %dma_wait3A_77, %dma_wait3A_78] : memref<10048x2x64xi32, #tpu.memory_space<hbm>> -> memref<1x2x64xi32, #tpu.memory_space<hbm>>
    %dma_wait3A_80 = tpu.memref_squeeze %dma_wait3A_79 : memref<1x2x64xi32, #tpu.memory_space<hbm>> -> memref<2x64xi32, #tpu.memory_space<hbm>>
    %dma_wait3A_81 = arith.constant 0 : i32
    %dma_wait3A_82 = arith.constant 0 : i32
    %dma_wait3A_83 = tpu.memref_slice %arg4[%dma_wait3A_76, %dma_wait3A_81, %dma_wait3A_82] : memref<10048x2x64xi32, #tpu.memory_space<hbm>> -> memref<1x2x64xi32, #tpu.memory_space<hbm>>
    %dma_wait3A_84 = tpu.memref_squeeze %dma_wait3A_83 : memref<1x2x64xi32, #tpu.memory_space<hbm>> -> memref<2x64xi32, #tpu.memory_space<hbm>>
    tpu.wait_dma2 semaphore(%arg15 : memref<!tpu.dma_semaphore, #tpu.memory_space<semaphore_mem>>) src(%dma_wait3A_84 : memref<2x64xi32, #tpu.memory_space<hbm>>) dst(%arg8 : memref<2x64xi32, #tpu.memory_space<vmem>>)
    %barrier3A_85 = arith.constant 0 : index
    tpu.barrier barrier_id(%barrier3A_85)
    %scan3A_86 = arith.constant 0 : i32
    %scan3A_87 = arith.constant 0 : i32
    %scan3A_88 = arith.constant 3 : i32
    %scan3A_89 = arith.addi %scan3A_87, %scan3A_88 : i32
    %scan3A_90 = arith.constant 1 : i32
    scf.for %scan3A_97 = %scan3A_87 to %scan3A_89 step %scan3A_90  : i32 {
      %mul3A_98 = arith.constant 624 : i32
      %mul3A_99 = arith.muli %arg1, %mul3A_98 : i32
      %mul3A_100 = arith.constant 208 : i32
      %mul3A_101 = arith.muli %scan3A_97, %mul3A_100 : i32
      %add3A_102 = arith.addi %mul3A_99, %mul3A_101 : i32
      %mul3A_103 = arith.constant 10000 : i32
      %mul3A_104 = arith.muli %arg0, %mul3A_103 : i32
      %add3A_105 = arith.addi %mul3A_104, %add3A_102 : i32
      "tpu.region"() ({
        %run_scoped3A_106 = tpu.sem_alloc : memref<!tpu.dma_semaphore, #tpu.memory_space<semaphore_mem>>
        %dma_start3A_107 = arith.constant 0 : i32
        %dma_start3A_108 = tpu.memref_slice %arg6[%add3A_105, %dma_start3A_107] : memref<20000x128xf32, #tpu.memory_space<hbm>> -> memref<208x128xf32, #tpu.memory_space<hbm>>
        %dma_start3A_109 = arith.constant 0 : i32
        %dma_start3A_110 = tpu.memref_slice %arg13[%add3A_102, %dma_start3A_109] : memref<10008x128xf32, #tpu.memory_space<vmem_shared>> -> memref<208x128xf32, #tpu.memory_space<vmem_shared>>
        tpu.enqueue_dma source(%dma_start3A_110 : memref<208x128xf32, #tpu.memory_space<vmem_shared>>) target(%dma_start3A_108 : memref<208x128xf32, #tpu.memory_space<hbm>>) target_semaphore(%run_scoped3A_106 : memref<!tpu.dma_semaphore, #tpu.memory_space<semaphore_mem>>)
        %dma_wait3A_111 = arith.constant 0 : i32
        %dma_wait3A_112 = tpu.memref_slice %arg6[%add3A_105, %dma_wait3A_111] : memref<20000x128xf32, #tpu.memory_space<hbm>> -> memref<208x128xf32, #tpu.memory_space<hbm>>
        %dma_wait3A_113 = arith.constant 0 : i32
        %dma_wait3A_114 = tpu.memref_slice %arg13[%add3A_102, %dma_wait3A_113] : memref<10008x128xf32, #tpu.memory_space<vmem_shared>> -> memref<208x128xf32, #tpu.memory_space<vmem_shared>>
        tpu.wait_dma2 semaphore(%run_scoped3A_106 : memref<!tpu.dma_semaphore, #tpu.memory_space<semaphore_mem>>) src(%dma_wait3A_114 : memref<208x128xf32, #tpu.memory_space<vmem_shared>>) dst(%dma_wait3A_112 : memref<208x128xf32, #tpu.memory_space<hbm>>)
        tpu.yield
      }) : () -> ()
    }
    %scan3A_91 = arith.constant 3 : i32
    %eq3A_92 = arith.constant 15 : i32
    %eq3A_93 = arith.cmpi eq, %arg1, %eq3A_92 : i32
    %convert_element_type3A_94 = arith.extui %eq3A_93 : i1 to i32
    %cond3A_95 = arith.constant 0 : i32
    %cond3A_96 = arith.cmpi ne, %convert_element_type3A_94, %cond3A_95 : i32
    scf.if %cond3A_96 {
      %mul3A_97 = arith.constant 10000 : i32
      %mul3A_98 = arith.muli %arg0, %mul3A_97 : i32
      %add3A_99 = arith.constant 9984 : i32
      %add3A_100 = arith.addi %mul3A_98, %add3A_99 : i32
      "tpu.region"() ({
        %run_scoped3A_101 = tpu.sem_alloc : memref<!tpu.dma_semaphore, #tpu.memory_space<semaphore_mem>>
        %dma_start3A_102 = arith.constant 0 : i32
        %dma_start3A_103 = tpu.memref_slice %arg6[%add3A_100, %dma_start3A_102] : memref<20000x128xf32, #tpu.memory_space<hbm>> -> memref<16x128xf32, #tpu.memory_space<hbm>>
        %dma_start3A_104 = arith.constant 9984 : i32
        %dma_start3A_105 = arith.constant 0 : i32
        %dma_start3A_106 = tpu.memref_slice %arg13[%dma_start3A_104, %dma_start3A_105] : memref<10008x128xf32, #tpu.memory_space<vmem_shared>> -> memref<16x128xf32, #tpu.memory_space<vmem_shared>>
        tpu.enqueue_dma source(%dma_start3A_106 : memref<16x128xf32, #tpu.memory_space<vmem_shared>>) target(%dma_start3A_103 : memref<16x128xf32, #tpu.memory_space<hbm>>) target_semaphore(%run_scoped3A_101 : memref<!tpu.dma_semaphore, #tpu.memory_space<semaphore_mem>>)
        %dma_wait3A_107 = arith.constant 0 : i32
        %dma_wait3A_108 = tpu.memref_slice %arg6[%add3A_100, %dma_wait3A_107] : memref<20000x128xf32, #tpu.memory_space<hbm>> -> memref<16x128xf32, #tpu.memory_space<hbm>>
        %dma_wait3A_109 = arith.constant 9984 : i32
        %dma_wait3A_110 = arith.constant 0 : i32
        %dma_wait3A_111 = tpu.memref_slice %arg13[%dma_wait3A_109, %dma_wait3A_110] : memref<10008x128xf32, #tpu.memory_space<vmem_shared>> -> memref<16x128xf32, #tpu.memory_space<vmem_shared>>
        tpu.wait_dma2 semaphore(%run_scoped3A_101 : memref<!tpu.dma_semaphore, #tpu.memory_space<semaphore_mem>>) src(%dma_wait3A_111 : memref<16x128xf32, #tpu.memory_space<vmem_shared>>) dst(%dma_wait3A_108 : memref<16x128xf32, #tpu.memory_space<hbm>>)
        tpu.yield
      }) : () -> ()
    } else {
    }
    return
  }
}

module attributes {stable_mosaic.version = 14 : i64} {
  func.func @_lin0_body(%arg0: i32, %arg1: memref<1000x128xf32, #tpu.memory_space<vmem>>, %arg2: memref<128x128xf32, #tpu.memory_space<vmem>>, %arg3: memref<128xf32, #tpu.memory_space<vmem>>, %arg4: memref<1000x128xf32, #tpu.memory_space<vmem>>) attributes {dimension_semantics = [#tpu.dimension_semantics<arbitrary>], iteration_bounds = array<i64: 20>, scalar_prefetch = 0 : i64, scratch_operands = 0 : i64, tpu.core_type = #tpu.core_type<tc>, window_params = [{transform_indices = @transform_0, window_bounds = array<i64: 1000, 128>}, {pipeline_mode = #tpu.pipeline_mode<synchronous>, transform_indices = @transform_1, window_bounds = array<i64: 128, 128>}, {pipeline_mode = #tpu.pipeline_mode<synchronous>, transform_indices = @transform_2, window_bounds = array<i64: 128>}, {transform_indices = @transform_3, window_bounds = array<i64: 1000, 128>}]} {
    %get3A = arith.constant 0 : index
    %get3A_0 = arith.constant 0 : index
    %get3A_1 = vector.load %arg1[%get3A, %get3A_0] : memref<1000x128xf32, #tpu.memory_space<vmem>>, vector<1000x128xf32>
    %get3A_2 = arith.constant 0 : index
    %get3A_3 = arith.constant 0 : index
    %get3A_4 = vector.load %arg2[%get3A_2, %get3A_3] : memref<128x128xf32, #tpu.memory_space<vmem>>, vector<128x128xf32>
    %dot_general3A = arith.constant dense<0.000000e+00> : vector<1000x128xf32>
    %dot_general3A_5 = tpu.matmul %get3A_1, %get3A_4, %dot_general3A {dimension_numbers = #tpu.dot_dimension_numbers<[1], [0], [0], [1], [0, 0, 1, 1], [], []>, transpose_lhs_hint = false} : vector<1000x128xf32>, vector<128x128xf32>, vector<1000x128xf32> -> vector<1000x128xf32>
    %get3A_6 = arith.constant 0 : index
    %get3A_7 = vector.load %arg3[%get3A_6] : memref<128xf32, #tpu.memory_space<vmem>>, vector<128xf32>
    %broadcast_in_dim3A = vector.shape_cast %get3A_7 : vector<128xf32> to vector<1x128xf32>
    %add3A = vector.broadcast %broadcast_in_dim3A : vector<1x128xf32> to vector<1000x128xf32>
    %add3A_8 = arith.addf %dot_general3A_5, %add3A : vector<1000x128xf32>
    %max3A = arith.constant 0.000000e+00 : f32
    %max3A_9 = vector.broadcast %max3A : f32 to vector<1000x128xf32>
    %max3A_10 = arith.maximumf %add3A_8, %max3A_9 : vector<1000x128xf32>
    %swap3A = arith.constant 0 : index
    %swap3A_11 = arith.constant 0 : index
    %swap3A_12 = vector.load %arg4[%swap3A, %swap3A_11] : memref<1000x128xf32, #tpu.memory_space<vmem>>, vector<1000x128xf32>
    tpu.vector_store %arg4[%swap3A, %swap3A_11], %max3A_10 {strides = array<i32>} : memref<1000x128xf32, #tpu.memory_space<vmem>>, vector<1000x128xf32>,
    return
  }
  func.func @transform_0(%arg0: i32) -> (i32, i32) {
    %c0_i32 = arith.constant 0 : i32
    %c0_i32_0 = arith.constant 0 : i32
    return %arg0, %c0_i32 : i32, i32
  }
  func.func @transform_1(%arg0: i32) -> (i32, i32) {
    %c0_i32 = arith.constant 0 : i32
    %c0_i32_0 = arith.constant 0 : i32
    %c0_i32_1 = arith.constant 0 : i32
    return %c0_i32, %c0_i32_0 : i32, i32
  }
  func.func @transform_2(%arg0: i32) -> i32 {
    %c0_i32 = arith.constant 0 : i32
    %c0_i32_0 = arith.constant 0 : i32
    return %c0_i32 : i32
  }
  func.func @transform_3(%arg0: i32) -> (i32, i32) {
    %c0_i32 = arith.constant 0 : i32
    %c0_i32_0 = arith.constant 0 : i32
    return %arg0, %c0_i32 : i32, i32
  }
}

module attributes {stable_mosaic.version = 14 : i64} {
  func.func @_eatr_body(%arg0: i32, %arg1: memref<4000x16xf32, #tpu.memory_space<vmem>>, %arg2: memref<16x128xf32, #tpu.memory_space<vmem>>, %arg3: memref<128xf32, #tpu.memory_space<vmem>>, %arg4: memref<4000x128xf32, #tpu.memory_space<vmem>>) attributes {dimension_semantics = [#tpu.dimension_semantics<arbitrary>], iteration_bounds = array<i64: 160>, scalar_prefetch = 0 : i64, scratch_operands = 0 : i64, tpu.core_type = #tpu.core_type<tc>, window_params = [{transform_indices = @transform_0, window_bounds = array<i64: 4000, 16>}, {pipeline_mode = #tpu.pipeline_mode<synchronous>, transform_indices = @transform_1, window_bounds = array<i64: 16, 128>}, {pipeline_mode = #tpu.pipeline_mode<synchronous>, transform_indices = @transform_2, window_bounds = array<i64: 128>}, {transform_indices = @transform_3, window_bounds = array<i64: 4000, 128>}]} {
    %get3A = arith.constant 0 : index
    %get3A_0 = arith.constant 0 : index
    %get3A_1 = vector.load %arg1[%get3A, %get3A_0] : memref<4000x16xf32, #tpu.memory_space<vmem>>, vector<4000x16xf32>
    %get3A_2 = arith.constant 0 : index
    %get3A_3 = arith.constant 0 : index
    %get3A_4 = vector.load %arg2[%get3A_2, %get3A_3] : memref<16x128xf32, #tpu.memory_space<vmem>>, vector<16x128xf32>
    %dot_general3A = arith.constant dense<0.000000e+00> : vector<4000x128xf32>
    %dot_general3A_5 = tpu.matmul %get3A_1, %get3A_4, %dot_general3A {dimension_numbers = #tpu.dot_dimension_numbers<[1], [0], [0], [1], [0, 0, 1, 1], [], []>, transpose_lhs_hint = false} : vector<4000x16xf32>, vector<16x128xf32>, vector<4000x128xf32> -> vector<4000x128xf32>
    %get3A_6 = arith.constant 0 : index
    %get3A_7 = vector.load %arg3[%get3A_6] : memref<128xf32, #tpu.memory_space<vmem>>, vector<128xf32>
    %broadcast_in_dim3A = vector.shape_cast %get3A_7 : vector<128xf32> to vector<1x128xf32>
    %add3A = vector.broadcast %broadcast_in_dim3A : vector<1x128xf32> to vector<4000x128xf32>
    %add3A_8 = arith.addf %dot_general3A_5, %add3A : vector<4000x128xf32>
    %swap3A = arith.constant 0 : index
    %swap3A_9 = arith.constant 0 : index
    %swap3A_10 = vector.load %arg4[%swap3A, %swap3A_9] : memref<4000x128xf32, #tpu.memory_space<vmem>>, vector<4000x128xf32>
    tpu.vector_store %arg4[%swap3A, %swap3A_9], %add3A_8 {strides = array<i32>} : memref<4000x128xf32, #tpu.memory_space<vmem>>, vector<4000x128xf32>,
    return
  }
  func.func @transform_0(%arg0: i32) -> (i32, i32) {
    %c0_i32 = arith.constant 0 : i32
    %c0_i32_0 = arith.constant 0 : i32
    return %arg0, %c0_i32 : i32, i32
  }
  func.func @transform_1(%arg0: i32) -> (i32, i32) {
    %c0_i32 = arith.constant 0 : i32
    %c0_i32_0 = arith.constant 0 : i32
    %c0_i32_1 = arith.constant 0 : i32
    return %c0_i32, %c0_i32_0 : i32, i32
  }
  func.func @transform_2(%arg0: i32) -> i32 {
    %c0_i32 = arith.constant 0 : i32
    %c0_i32_0 = arith.constant 0 : i32
    return %c0_i32 : i32
  }
  func.func @transform_3(%arg0: i32) -> (i32, i32) {
    %c0_i32 = arith.constant 0 : i32
    %c0_i32_0 = arith.constant 0 : i32
    return %arg0, %c0_i32 : i32, i32
  }
}

module attributes {stable_mosaic.version = 14 : i64} {
  func.func @_gine_pool_body(%arg0: i32, %arg1: i32, %arg2: memref<1000x128xf32, #tpu.memory_space<vmem>>, %arg3: memref<1000x128xf32, #tpu.memory_space<vmem>>, %arg4: memref<1x1x1000xi32, #tpu.memory_space<vmem>>, %arg5: memref<128x256xf32, #tpu.memory_space<vmem>>, %arg6: memref<256xf32, #tpu.memory_space<vmem>>, %arg7: memref<256x128xf32, #tpu.memory_space<vmem>>, %arg8: memref<128xf32, #tpu.memory_space<vmem>>, %arg9: memref<1x256x128xf32, #tpu.memory_space<vmem>>) attributes {dimension_semantics = [#tpu.dimension_semantics<arbitrary>, #tpu.dimension_semantics<arbitrary>], iteration_bounds = array<i64: 2, 10>, scalar_prefetch = 0 : i64, scratch_operands = 0 : i64, tpu.core_type = #tpu.core_type<tc>, window_params = [{transform_indices = @transform_0, window_bounds = array<i64: 1000, 128>}, {transform_indices = @transform_1, window_bounds = array<i64: 1000, 128>}, {transform_indices = @transform_2, window_bounds = array<i64: 1, 1, 1000>}, {pipeline_mode = #tpu.pipeline_mode<synchronous>, transform_indices = @transform_3, window_bounds = array<i64: 128, 256>}, {pipeline_mode = #tpu.pipeline_mode<synchronous>, transform_indices = @transform_4, window_bounds = array<i64: 256>}, {pipeline_mode = #tpu.pipeline_mode<synchronous>, transform_indices = @transform_5, window_bounds = array<i64: 256, 128>}, {pipeline_mode = #tpu.pipeline_mode<synchronous>, transform_indices = @transform_6, window_bounds = array<i64: 128>}, {transform_indices = @transform_7, window_bounds = array<i64: 1, 256, 128>}]} {
    %get3A = arith.constant 0 : index
    %get3A_0 = arith.constant 0 : index
    %get3A_1 = vector.load %arg2[%get3A, %get3A_0] : memref<1000x128xf32, #tpu.memory_space<vmem>>, vector<1000x128xf32>
    %get3A_2 = arith.constant 0 : index
    %get3A_3 = arith.constant 0 : index
    %get3A_4 = vector.load %arg3[%get3A_2, %get3A_3] : memref<1000x128xf32, #tpu.memory_space<vmem>>, vector<1000x128xf32>
    %add3A = arith.addf %get3A_1, %get3A_4 : vector<1000x128xf32>
    %get3A_5 = arith.constant 0 : index
    %get3A_6 = arith.constant 0 : index
    %get3A_7 = vector.load %arg5[%get3A_5, %get3A_6] : memref<128x256xf32, #tpu.memory_space<vmem>>, vector<128x256xf32>
    %dot_general3A = arith.constant dense<0.000000e+00> : vector<1000x256xf32>
    %dot_general3A_8 = tpu.matmul %add3A, %get3A_7, %dot_general3A {dimension_numbers = #tpu.dot_dimension_numbers<[1], [0], [0], [1], [0, 0, 1, 1], [], []>, transpose_lhs_hint = false} : vector<1000x128xf32>, vector<128x256xf32>, vector<1000x256xf32> -> vector<1000x256xf32>
    %get3A_9 = arith.constant 0 : index
    %get3A_10 = vector.load %arg6[%get3A_9] : memref<256xf32, #tpu.memory_space<vmem>>, vector<256xf32>
    %broadcast_in_dim3A = vector.shape_cast %get3A_10 : vector<256xf32> to vector<1x256xf32>
    %add3A_11 = vector.broadcast %broadcast_in_dim3A : vector<1x256xf32> to vector<1000x256xf32>
    %add3A_12 = arith.addf %dot_general3A_8, %add3A_11 : vector<1000x256xf32>
    %max3A = arith.constant 0.000000e+00 : f32
    %max3A_13 = vector.broadcast %max3A : f32 to vector<1000x256xf32>
    %max3A_14 = arith.maximumf %add3A_12, %max3A_13 : vector<1000x256xf32>
    %get3A_15 = arith.constant 0 : index
    %get3A_16 = arith.constant 0 : index
    %get3A_17 = vector.load %arg7[%get3A_15, %get3A_16] : memref<256x128xf32, #tpu.memory_space<vmem>>, vector<256x128xf32>
    %dot_general3A_18 = arith.constant dense<0.000000e+00> : vector<1000x128xf32>
    %dot_general3A_19 = tpu.matmul %max3A_14, %get3A_17, %dot_general3A_18 {dimension_numbers = #tpu.dot_dimension_numbers<[1], [0], [0], [1], [0, 0, 1, 1], [], []>, transpose_lhs_hint = false} : vector<1000x256xf32>, vector<256x128xf32>, vector<1000x128xf32> -> vector<1000x128xf32>
    %get3A_20 = arith.constant 0 : index
    %get3A_21 = vector.load %arg8[%get3A_20] : memref<128xf32, #tpu.memory_space<vmem>>, vector<128xf32>
    %broadcast_in_dim3A_22 = vector.shape_cast %get3A_21 : vector<128xf32> to vector<1x128xf32>
    %add3A_23 = vector.broadcast %broadcast_in_dim3A_22 : vector<1x128xf32> to vector<1000x128xf32>
    %add3A_24 = arith.addf %dot_general3A_19, %add3A_23 : vector<1000x128xf32>
    %max3A_25 = arith.constant 0.000000e+00 : f32
    %max3A_26 = vector.broadcast %max3A_25 : f32 to vector<1000x128xf32>
    %max3A_27 = arith.maximumf %add3A_24, %max3A_26 : vector<1000x128xf32>
    %get3A_28 = arith.constant 0 : index
    %get3A_29 = arith.constant 0 : index
    %get3A_30 = arith.constant 0 : index
    %get3A_31 = vector.load %arg4[%get3A_28, %get3A_29, %get3A_30] : memref<1x1x1000xi32, #tpu.memory_space<vmem>>, vector<1x1x1000xi32>
    %get3A_32 = vector.shape_cast %get3A_31 : vector<1x1x1000xi32> to vector<1000xi32>
    %iota3A = tpu.iota {dimensions = array<i32: 0>} : vector<256x1000xi32>
    %broadcast_in_dim3A_33 = vector.shape_cast %get3A_32 : vector<1000xi32> to vector<1x1000xi32>
    %eq3A = vector.broadcast %broadcast_in_dim3A_33 : vector<1x1000xi32> to vector<256x1000xi32>
    %eq3A_34 = arith.cmpi eq, %iota3A, %eq3A : vector<256x1000xi32>
    %convert_element_type3A = arith.extui %eq3A_34 : vector<256x1000xi1> to vector<256x1000xi32>
    %convert_element_type3A_35 = arith.sitofp %convert_element_type3A : vector<256x1000xi32> to vector<256x1000xf32>
    %dot_general3A_36 = arith.constant dense<0.000000e+00> : vector<256x128xf32>
    %dot_general3A_37 = tpu.matmul %convert_element_type3A_35, %max3A_27, %dot_general3A_36 {dimension_numbers = #tpu.dot_dimension_numbers<[1], [0], [0], [1], [0, 0, 1, 1], [], []>, precision = #tpu.contract_precision<fp32>, transpose_lhs_hint = false} : vector<256x1000xf32>, vector<1000x128xf32>, vector<256x128xf32> -> vector<256x128xf32>
    %eq3A_38 = arith.constant 0 : i32
    %eq3A_39 = arith.cmpi eq, %arg1, %eq3A_38 : i32
    %convert_element_type3A_40 = arith.extui %eq3A_39 : i1 to i32
    %cond3A = arith.constant 0 : i32
    %cond3A_41 = arith.cmpi ne, %convert_element_type3A_40, %cond3A : i32
    scf.if %cond3A_41 {
      %broadcast_in_dim3A_53 = arith.constant 0.000000e+00 : f32
      %broadcast_in_dim3A_54 = vector.broadcast %broadcast_in_dim3A_53 : f32 to vector<1x256x128xf32>
      %swap3A_55 = arith.constant 0 : index
      %swap3A_56 = arith.constant 0 : index
      %swap3A_57 = arith.constant 0 : index
      %swap3A_58 = vector.load %arg9[%swap3A_55, %swap3A_56, %swap3A_57] : memref<1x256x128xf32, #tpu.memory_space<vmem>>, vector<1x256x128xf32>
      tpu.vector_store %arg9[%swap3A_55, %swap3A_56, %swap3A_57], %broadcast_in_dim3A_54 {strides = array<i32>} : memref<1x256x128xf32, #tpu.memory_space<vmem>>, vector<1x256x128xf32>,
    } else {
    }
    %get3A_42 = arith.constant 0 : index
    %get3A_43 = arith.constant 0 : index
    %get3A_44 = arith.constant 0 : index
    %get3A_45 = vector.load %arg9[%get3A_42, %get3A_43, %get3A_44] : memref<1x256x128xf32, #tpu.memory_space<vmem>>, vector<1x256x128xf32>
    %get3A_46 = vector.shape_cast %get3A_45 : vector<1x256x128xf32> to vector<256x128xf32>
    %add3A_47 = arith.addf %get3A_46, %dot_general3A_37 : vector<256x128xf32>
    %swap3A = arith.constant 0 : index
    %swap3A_48 = arith.constant 0 : index
    %swap3A_49 = arith.constant 0 : index
    %swap3A_50 = vector.load %arg9[%swap3A, %swap3A_48, %swap3A_49] : memref<1x256x128xf32, #tpu.memory_space<vmem>>, vector<1x256x128xf32>
    %swap3A_51 = vector.shape_cast %swap3A_50 : vector<1x256x128xf32> to vector<256x128xf32>
    %swap3A_52 = vector.shape_cast %add3A_47 : vector<256x128xf32> to vector<1x256x128xf32>
    tpu.vector_store %arg9[%swap3A, %swap3A_48, %swap3A_49], %swap3A_52 {strides = array<i32>} : memref<1x256x128xf32, #tpu.memory_space<vmem>>, vector<1x256x128xf32>,
    return
  }
  func.func @transform_0(%arg0: i32, %arg1: i32) -> (i32, i32) {
    %mul3A = arith.constant 10 : i32
    %mul3A_0 = arith.muli %arg0, %mul3A : i32
    %add3A = arith.addi %mul3A_0, %arg1 : i32
    %c0_i32 = arith.constant 0 : i32
    %c0_i32_1 = arith.constant 0 : i32
    return %add3A, %c0_i32 : i32, i32
  }
  func.func @transform_1(%arg0: i32, %arg1: i32) -> (i32, i32) {
    %mul3A = arith.constant 10 : i32
    %mul3A_0 = arith.muli %arg0, %mul3A : i32
    %add3A = arith.addi %mul3A_0, %arg1 : i32
    %c0_i32 = arith.constant 0 : i32
    %c0_i32_1 = arith.constant 0 : i32
    return %add3A, %c0_i32 : i32, i32
  }
  func.func @transform_2(%arg0: i32, %arg1: i32) -> (i32, i32, i32) {
    %mul3A = arith.constant 10 : i32
    %mul3A_0 = arith.muli %arg0, %mul3A : i32
    %add3A = arith.addi %mul3A_0, %arg1 : i32
    %c0_i32 = arith.constant 0 : i32
    %c0_i32_1 = arith.constant 0 : i32
    %c0_i32_2 = arith.constant 0 : i32
    return %add3A, %c0_i32, %c0_i32_1 : i32, i32, i32
  }
  func.func @transform_3(%arg0: i32, %arg1: i32) -> (i32, i32) {
    %c0_i32 = arith.constant 0 : i32
    %c0_i32_0 = arith.constant 0 : i32
    %c0_i32_1 = arith.constant 0 : i32
    return %c0_i32, %c0_i32_0 : i32, i32
  }
  func.func @transform_4(%arg0: i32, %arg1: i32) -> i32 {
    %c0_i32 = arith.constant 0 : i32
    %c0_i32_0 = arith.constant 0 : i32
    return %c0_i32 : i32
  }
  func.func @transform_5(%arg0: i32, %arg1: i32) -> (i32, i32) {
    %c0_i32 = arith.constant 0 : i32
    %c0_i32_0 = arith.constant 0 : i32
    %c0_i32_1 = arith.constant 0 : i32
    return %c0_i32, %c0_i32_0 : i32, i32
  }
  func.func @transform_6(%arg0: i32, %arg1: i32) -> i32 {
    %c0_i32 = arith.constant 0 : i32
    %c0_i32_0 = arith.constant 0 : i32
    return %c0_i32 : i32
  }
  func.func @transform_7(%arg0: i32, %arg1: i32) -> (i32, i32, i32) {
    %c0_i32 = arith.constant 0 : i32
    %c0_i32_0 = arith.constant 0 : i32
    %c0_i32_1 = arith.constant 0 : i32
    return %arg0, %c0_i32, %c0_i32_0 : i32, i32, i32
  }
}

module attributes {stable_mosaic.version = 14 : i64} {
  func.func @_head_body(%arg0: memref<2x256x128xf32, #tpu.memory_space<vmem>>, %arg1: memref<256x1xf32, #tpu.memory_space<vmem>>, %arg2: memref<256x1xf32, #tpu.memory_space<vmem>>, %arg3: memref<256x1xf32, #tpu.memory_space<vmem>>, %arg4: memref<256x1xf32, #tpu.memory_space<vmem>>, %arg5: memref<256x1xf32, #tpu.memory_space<vmem>>, %arg6: memref<1x128xf32, #tpu.memory_space<vmem>>, %arg7: memref<128xf32, #tpu.memory_space<vmem>>, %arg8: memref<128x256xf32, #tpu.memory_space<vmem>>, %arg9: memref<256xf32, #tpu.memory_space<vmem>>, %arg10: memref<256x128xf32, #tpu.memory_space<vmem>>, %arg11: memref<128xf32, #tpu.memory_space<vmem>>, %arg12: memref<128x128xf32, #tpu.memory_space<vmem>>, %arg13: memref<128xf32, #tpu.memory_space<vmem>>, %arg14: memref<128x128xf32, #tpu.memory_space<vmem>>, %arg15: memref<1x128xf32, #tpu.memory_space<vmem>>, %arg16: memref<128xf32, #tpu.memory_space<vmem>>, %arg17: memref<128x1xf32, #tpu.memory_space<vmem>>, %arg18: memref<1x1xf32, #tpu.memory_space<vmem>>, %arg19: memref<256x1xf32, #tpu.memory_space<vmem>>) attributes {dimension_semantics = [], scalar_prefetch = 0 : i64, scratch_operands = 0 : i64, tpu.core_type = #tpu.core_type<tc>} {
    %get3A = arith.constant 0 : index
    %get3A_0 = arith.constant 0 : index
    %get3A_1 = arith.constant 0 : index
    %get3A_2 = vector.load %arg0[%get3A, %get3A_0, %get3A_1] : memref<2x256x128xf32, #tpu.memory_space<vmem>>, vector<1x256x128xf32>
    %get3A_3 = vector.shape_cast %get3A_2 : vector<1x256x128xf32> to vector<256x128xf32>
    %get3A_4 = arith.constant 0 : index
    %get3A_5 = arith.constant 0 : index
    %get3A_6 = vector.load %arg1[%get3A_4, %get3A_5] : memref<256x1xf32, #tpu.memory_space<vmem>>, vector<256x1xf32>
    %mul3A = vector.broadcast %get3A_6 : vector<256x1xf32> to vector<256x128xf32>
    %mul3A_7 = arith.mulf %get3A_3, %mul3A : vector<256x128xf32>
    %get3A_8 = arith.constant 1 : index
    %get3A_9 = arith.constant 0 : index
    %get3A_10 = arith.constant 0 : index
    %get3A_11 = vector.load %arg0[%get3A_8, %get3A_9, %get3A_10] : memref<2x256x128xf32, #tpu.memory_space<vmem>>, vector<1x256x128xf32>
    %get3A_12 = vector.shape_cast %get3A_11 : vector<1x256x128xf32> to vector<256x128xf32>
    %get3A_13 = arith.constant 0 : index
    %get3A_14 = arith.constant 0 : index
    %get3A_15 = vector.load %arg2[%get3A_13, %get3A_14] : memref<256x1xf32, #tpu.memory_space<vmem>>, vector<256x1xf32>
    %mul3A_16 = vector.broadcast %get3A_15 : vector<256x1xf32> to vector<256x128xf32>
    %mul3A_17 = arith.mulf %get3A_12, %mul3A_16 : vector<256x128xf32>
    %get3A_18 = arith.constant 0 : index
    %get3A_19 = arith.constant 0 : index
    %get3A_20 = vector.load %arg2[%get3A_18, %get3A_19] : memref<256x1xf32, #tpu.memory_space<vmem>>, vector<256x1xf32>
    %eq3A = arith.constant 0.000000e+00 : f32
    %eq3A_21 = vector.broadcast %eq3A : f32 to vector<256x1xf32>
    %eq3A_22 = arith.cmpf oeq, %get3A_20, %eq3A_21 : vector<256x1xf32>
    %broadcast_in_dim3A = vector.shape_cast %eq3A_22 : vector<256x1xi1> to vector<256x1xi1>
    %broadcast_in_dim3A_23 = vector.broadcast %broadcast_in_dim3A : vector<256x1xi1> to vector<256x128xi1>
    %select_n3A = arith.select %broadcast_in_dim3A_23, %mul3A_7, %mul3A_17 : vector<256x128xi1>, vector<256x128xf32>
    %get3A_24 = arith.constant 0 : index
    %get3A_25 = arith.constant 0 : index
    %get3A_26 = vector.load %arg4[%get3A_24, %get3A_25] : memref<256x1xf32, #tpu.memory_space<vmem>>, vector<256x1xf32>
    %get3A_27 = arith.constant 0 : index
    %get3A_28 = arith.constant 0 : index
    %get3A_29 = vector.load %arg3[%get3A_27, %get3A_28] : memref<256x1xf32, #tpu.memory_space<vmem>>, vector<256x1xf32>
    %select_n3A_30 = arith.select %eq3A_22, %get3A_26, %get3A_29 : vector<256x1xi1>, vector<256x1xf32>
    %convert_element_type3A = arith.truncf %select_n3A_30 : vector<256x1xf32> to vector<256x1xbf16>
    %convert_element_type3A_31 = arith.extf %convert_element_type3A : vector<256x1xbf16> to vector<256x1xf32>
    %get3A_32 = arith.constant 0 : index
    %get3A_33 = arith.constant 0 : index
    %get3A_34 = vector.load %arg6[%get3A_32, %get3A_33] : memref<1x128xf32, #tpu.memory_space<vmem>>, vector<1x128xf32>
    %convert_element_type3A_35 = arith.truncf %get3A_34 : vector<1x128xf32> to vector<1x128xbf16>
    %convert_element_type3A_36 = arith.extf %convert_element_type3A_35 : vector<1x128xbf16> to vector<1x128xf32>
    %mul3A_37 = vector.broadcast %convert_element_type3A_31 : vector<256x1xf32> to vector<256x128xf32>
    %mul3A_38 = vector.broadcast %convert_element_type3A_36 : vector<1x128xf32> to vector<256x128xf32>
    %mul3A_39 = arith.mulf %mul3A_37, %mul3A_38 : vector<256x128xf32>
    %get3A_40 = arith.constant 0 : index
    %get3A_41 = vector.load %arg7[%get3A_40] : memref<128xf32, #tpu.memory_space<vmem>>, vector<128xf32>
    %broadcast_in_dim3A_42 = vector.shape_cast %get3A_41 : vector<128xf32> to vector<1x128xf32>
    %add3A = vector.broadcast %broadcast_in_dim3A_42 : vector<1x128xf32> to vector<256x128xf32>
    %add3A_43 = arith.addf %mul3A_39, %add3A : vector<256x128xf32>
    %add3A_44 = arith.addf %select_n3A, %add3A_43 : vector<256x128xf32>
    %max3A = arith.constant 0.000000e+00 : f32
    %max3A_45 = vector.broadcast %max3A : f32 to vector<256x128xf32>
    %max3A_46 = arith.maximumf %add3A_44, %max3A_45 : vector<256x128xf32>
    %add3A_47 = arith.addf %mul3A_7, %max3A_46 : vector<256x128xf32>
    %add3A_48 = arith.addf %mul3A_7, %add3A_43 : vector<256x128xf32>
    %max3A_49 = arith.constant 0.000000e+00 : f32
    %max3A_50 = vector.broadcast %max3A_49 : f32 to vector<256x128xf32>
    %max3A_51 = arith.maximumf %add3A_48, %max3A_50 : vector<256x128xf32>
    %add3A_52 = arith.addf %select_n3A, %max3A_51 : vector<256x128xf32>
    %get3A_53 = arith.constant 0 : index
    %get3A_54 = arith.constant 0 : index
    %get3A_55 = vector.load %arg8[%get3A_53, %get3A_54] : memref<128x256xf32, #tpu.memory_space<vmem>>, vector<128x256xf32>
    %dot_general3A = arith.constant dense<0.000000e+00> : vector<256x256xf32>
    %dot_general3A_56 = tpu.matmul %add3A_47, %get3A_55, %dot_general3A {dimension_numbers = #tpu.dot_dimension_numbers<[1], [0], [0], [1], [0, 0, 1, 1], [], []>, transpose_lhs_hint = false} : vector<256x128xf32>, vector<128x256xf32>, vector<256x256xf32> -> vector<256x256xf32>
    %get3A_57 = arith.constant 0 : index
    %get3A_58 = vector.load %arg9[%get3A_57] : memref<256xf32, #tpu.memory_space<vmem>>, vector<256xf32>
    %broadcast_in_dim3A_59 = vector.shape_cast %get3A_58 : vector<256xf32> to vector<1x256xf32>
    %add3A_60 = vector.broadcast %broadcast_in_dim3A_59 : vector<1x256xf32> to vector<256x256xf32>
    %add3A_61 = arith.addf %dot_general3A_56, %add3A_60 : vector<256x256xf32>
    %max3A_62 = arith.constant 0.000000e+00 : f32
    %max3A_63 = vector.broadcast %max3A_62 : f32 to vector<256x256xf32>
    %max3A_64 = arith.maximumf %add3A_61, %max3A_63 : vector<256x256xf32>
    %get3A_65 = arith.constant 0 : index
    %get3A_66 = arith.constant 0 : index
    %get3A_67 = vector.load %arg10[%get3A_65, %get3A_66] : memref<256x128xf32, #tpu.memory_space<vmem>>, vector<256x128xf32>
    %dot_general3A_68 = arith.constant dense<0.000000e+00> : vector<256x128xf32>
    %dot_general3A_69 = tpu.matmul %max3A_64, %get3A_67, %dot_general3A_68 {dimension_numbers = #tpu.dot_dimension_numbers<[1], [0], [0], [1], [0, 0, 1, 1], [], []>, transpose_lhs_hint = false} : vector<256x256xf32>, vector<256x128xf32>, vector<256x128xf32> -> vector<256x128xf32>
    %get3A_70 = arith.constant 0 : index
    %get3A_71 = vector.load %arg11[%get3A_70] : memref<128xf32, #tpu.memory_space<vmem>>, vector<128xf32>
    %broadcast_in_dim3A_72 = vector.shape_cast %get3A_71 : vector<128xf32> to vector<1x128xf32>
    %add3A_73 = vector.broadcast %broadcast_in_dim3A_72 : vector<1x128xf32> to vector<256x128xf32>
    %add3A_74 = arith.addf %dot_general3A_69, %add3A_73 : vector<256x128xf32>
    %max3A_75 = arith.constant 0.000000e+00 : f32
    %max3A_76 = vector.broadcast %max3A_75 : f32 to vector<256x128xf32>
    %max3A_77 = arith.maximumf %add3A_74, %max3A_76 : vector<256x128xf32>
    %get3A_78 = arith.constant 0 : index
    %get3A_79 = arith.constant 0 : index
    %get3A_80 = vector.load %arg8[%get3A_78, %get3A_79] : memref<128x256xf32, #tpu.memory_space<vmem>>, vector<128x256xf32>
    %dot_general3A_81 = arith.constant dense<0.000000e+00> : vector<256x256xf32>
    %dot_general3A_82 = tpu.matmul %add3A_52, %get3A_80, %dot_general3A_81 {dimension_numbers = #tpu.dot_dimension_numbers<[1], [0], [0], [1], [0, 0, 1, 1], [], []>, transpose_lhs_hint = false} : vector<256x128xf32>, vector<128x256xf32>, vector<256x256xf32> -> vector<256x256xf32>
    %get3A_83 = arith.constant 0 : index
    %get3A_84 = vector.load %arg9[%get3A_83] : memref<256xf32, #tpu.memory_space<vmem>>, vector<256xf32>
    %broadcast_in_dim3A_85 = vector.shape_cast %get3A_84 : vector<256xf32> to vector<1x256xf32>
    %add3A_86 = vector.broadcast %broadcast_in_dim3A_85 : vector<1x256xf32> to vector<256x256xf32>
    %add3A_87 = arith.addf %dot_general3A_82, %add3A_86 : vector<256x256xf32>
    %max3A_88 = arith.constant 0.000000e+00 : f32
    %max3A_89 = vector.broadcast %max3A_88 : f32 to vector<256x256xf32>
    %max3A_90 = arith.maximumf %add3A_87, %max3A_89 : vector<256x256xf32>
    %get3A_91 = arith.constant 0 : index
    %get3A_92 = arith.constant 0 : index
    %get3A_93 = vector.load %arg10[%get3A_91, %get3A_92] : memref<256x128xf32, #tpu.memory_space<vmem>>, vector<256x128xf32>
    %dot_general3A_94 = arith.constant dense<0.000000e+00> : vector<256x128xf32>
    %dot_general3A_95 = tpu.matmul %max3A_90, %get3A_93, %dot_general3A_94 {dimension_numbers = #tpu.dot_dimension_numbers<[1], [0], [0], [1], [0, 0, 1, 1], [], []>, transpose_lhs_hint = false} : vector<256x256xf32>, vector<256x128xf32>, vector<256x128xf32> -> vector<256x128xf32>
    %get3A_96 = arith.constant 0 : index
    %get3A_97 = vector.load %arg11[%get3A_96] : memref<128xf32, #tpu.memory_space<vmem>>, vector<128xf32>
    %broadcast_in_dim3A_98 = vector.shape_cast %get3A_97 : vector<128xf32> to vector<1x128xf32>
    %add3A_99 = vector.broadcast %broadcast_in_dim3A_98 : vector<1x128xf32> to vector<256x128xf32>
    %add3A_100 = arith.addf %dot_general3A_95, %add3A_99 : vector<256x128xf32>
    %max3A_101 = arith.constant 0.000000e+00 : f32
    %max3A_102 = vector.broadcast %max3A_101 : f32 to vector<256x128xf32>
    %max3A_103 = arith.maximumf %add3A_100, %max3A_102 : vector<256x128xf32>
    %add3A_104 = arith.addf %max3A_77, %max3A_103 : vector<256x128xf32>
    %get3A_105 = arith.constant 0 : index
    %get3A_106 = arith.constant 0 : index
    %get3A_107 = vector.load %arg12[%get3A_105, %get3A_106] : memref<128x128xf32, #tpu.memory_space<vmem>>, vector<128x128xf32>
    %dot_general3A_108 = arith.constant dense<0.000000e+00> : vector<256x128xf32>
    %dot_general3A_109 = tpu.matmul %add3A_104, %get3A_107, %dot_general3A_108 {dimension_numbers = #tpu.dot_dimension_numbers<[1], [0], [0], [1], [0, 0, 1, 1], [], []>, transpose_lhs_hint = false} : vector<256x128xf32>, vector<128x128xf32>, vector<256x128xf32> -> vector<256x128xf32>
    %get3A_110 = arith.constant 0 : index
    %get3A_111 = vector.load %arg13[%get3A_110] : memref<128xf32, #tpu.memory_space<vmem>>, vector<128xf32>
    %broadcast_in_dim3A_112 = vector.shape_cast %get3A_111 : vector<128xf32> to vector<1x128xf32>
    %add3A_113 = vector.broadcast %broadcast_in_dim3A_112 : vector<1x128xf32> to vector<256x128xf32>
    %add3A_114 = arith.addf %dot_general3A_109, %add3A_113 : vector<256x128xf32>
    %max3A_115 = arith.constant 0.000000e+00 : f32
    %max3A_116 = vector.broadcast %max3A_115 : f32 to vector<256x128xf32>
    %max3A_117 = arith.maximumf %add3A_114, %max3A_116 : vector<256x128xf32>
    %get3A_118 = arith.constant 0 : index
    %get3A_119 = arith.constant 0 : index
    %get3A_120 = vector.load %arg14[%get3A_118, %get3A_119] : memref<128x128xf32, #tpu.memory_space<vmem>>, vector<128x128xf32>
    %dot_general3A_121 = arith.constant dense<0.000000e+00> : vector<256x128xf32>
    %dot_general3A_122 = tpu.matmul %max3A_117, %get3A_120, %dot_general3A_121 {dimension_numbers = #tpu.dot_dimension_numbers<[1], [0], [0], [1], [0, 0, 1, 1], [], []>, transpose_lhs_hint = false} : vector<256x128xf32>, vector<128x128xf32>, vector<256x128xf32> -> vector<256x128xf32>
    %get3A_123 = arith.constant 0 : index
    %get3A_124 = arith.constant 0 : index
    %get3A_125 = vector.load %arg5[%get3A_123, %get3A_124] : memref<256x1xf32, #tpu.memory_space<vmem>>, vector<256x1xf32>
    %get3A_126 = arith.constant 0 : index
    %get3A_127 = arith.constant 0 : index
    %get3A_128 = vector.load %arg15[%get3A_126, %get3A_127] : memref<1x128xf32, #tpu.memory_space<vmem>>, vector<1x128xf32>
    %mul3A_129 = vector.broadcast %get3A_125 : vector<256x1xf32> to vector<256x128xf32>
    %mul3A_130 = vector.broadcast %get3A_128 : vector<1x128xf32> to vector<256x128xf32>
    %mul3A_131 = arith.mulf %mul3A_129, %mul3A_130 : vector<256x128xf32>
    %add3A_132 = arith.addf %dot_general3A_122, %mul3A_131 : vector<256x128xf32>
    %get3A_133 = arith.constant 0 : index
    %get3A_134 = vector.load %arg16[%get3A_133] : memref<128xf32, #tpu.memory_space<vmem>>, vector<128xf32>
    %broadcast_in_dim3A_135 = vector.shape_cast %get3A_134 : vector<128xf32> to vector<1x128xf32>
    %add3A_136 = vector.broadcast %broadcast_in_dim3A_135 : vector<1x128xf32> to vector<256x128xf32>
    %add3A_137 = arith.addf %add3A_132, %add3A_136 : vector<256x128xf32>
    %max3A_138 = arith.constant 0.000000e+00 : f32
    %max3A_139 = vector.broadcast %max3A_138 : f32 to vector<256x128xf32>
    %max3A_140 = arith.maximumf %add3A_137, %max3A_139 : vector<256x128xf32>
    %get3A_141 = arith.constant 0 : index
    %get3A_142 = arith.constant 0 : index
    %get3A_143 = vector.load %arg17[%get3A_141, %get3A_142] : memref<128x1xf32, #tpu.memory_space<vmem>>, vector<128x1xf32>
    %dot_general3A_144 = arith.constant dense<0.000000e+00> : vector<256x1xf32>
    %dot_general3A_145 = tpu.matmul %max3A_140, %get3A_143, %dot_general3A_144 {dimension_numbers = #tpu.dot_dimension_numbers<[1], [0], [0], [1], [0, 0, 1, 1], [], []>, transpose_lhs_hint = false} : vector<256x128xf32>, vector<128x1xf32>, vector<256x1xf32> -> vector<256x1xf32>
    %get3A_146 = arith.constant 0 : index
    %get3A_147 = arith.constant 0 : index
    %get3A_148 = vector.load %arg18[%get3A_146, %get3A_147] : memref<1x1xf32, #tpu.memory_space<vmem>>, vector<1x1xf32>
    %add3A_149 = vector.broadcast %get3A_148 : vector<1x1xf32> to vector<256x1xf32>
    %add3A_150 = arith.addf %dot_general3A_145, %add3A_149 : vector<256x1xf32>
    %swap3A = arith.constant 0 : index
    %swap3A_151 = arith.constant 0 : index
    %swap3A_152 = vector.load %arg19[%swap3A, %swap3A_151] : memref<256x1xf32, #tpu.memory_space<vmem>>, vector<256x1xf32>
    tpu.vector_store %arg19[%swap3A, %swap3A_151], %add3A_150 {strides = array<i32>} : memref<256x1xf32, #tpu.memory_space<vmem>>, vector<256x1xf32>,
    return
  }
}

</mosaic_0001>

<sc_bundles>
// kernel: kernel.7.cloned.1.call-start
scs
__scs_entry_jumppad:
0x0: {  	(pc) =	sbr.rel $0x88, $3  }
0x1: {  	(tag) =	ssettag $0x0;
	lr =	simm.s32 $0x1  }
0x2: {  	[smem:$0x3F80] =	sst lr;
	_ =	strace $0xD0000000  }
0x3: {  	_ = 	snop  }
0x4: {  	_ = 	snop  }
0x5: {  	_ = 	snop  }
0x6: {  	_ = 	snop  }
0x7: {  	_ = 	snop  }
__scs_overlays_trampoline_lowered:
0x8: {  	[smem:$0x3F8F] =	sst s0  }
0x9: {  	[smem:$0x3F90] =	sst s1  }
0xa: {  	[smem:$0x3F91] =	sst s2  }
0xb: {  	[smem:$0x3F92] =	sst s3  }
0xc: {  	[smem:$0x3F93] =	sst s4  }
0xd: {  	[smem:$0x3F94] =	sst s5  }
0xe: {  	[smem:$0x3F95] =	sst s6  }
0xf: {  	[smem:$0x3F96] =	sst s7  }
0x10: {  	[smem:$0x3F97] =	sst s8  }
0x11: {  	[smem:$0x3F98] =	sst s9;
	s0 =	simm.s32 @!p0 $0x0  }
0x12: {  	s1 =	sld [smem:$0x3F7E];
	s0 =	simm.s32 @p0 $0x1  }
0x13: {  	[smem:$0x3F99] =	sst s0;
	s0 =	simm.s32 @!p1 $0x0  }
0x14: {  	s2 =	sld [smem:$0x3F7D];
	s0 =	simm.s32 @p1 $0x1  }
0x15: {  	[smem:$0x3F9A] =	sst s0;
	s0 =	simm.s32 @!p2 $0x0  }
0x16: {  	s3 =	sld [smem:$0x3FDB];
	s0 =	simm.s32 @p2 $0x1  }
0x17: {  	s4 =	simm.s32 $0x1BF5;
	[smem:$0x3F9C] =	sst s0  }
0x18: {  	s0 =	sld [smem:$0x3F7F];
	_ =	swait.ge [sflag:s4], $0x0  }
0x19: {  	s7 =	sld [smem:$0x3F80]  }
0x1a: {  	s8 =	sadd.s32 $0xFFFFE003, lr  }
0x1b: {  	s9 =	sadd.s32 $0xFFFFFEF7, lr;
	s5 =	simm.s32 $0xFFFFFFFF;
	p2 =	slt.u32 s8, $0xFFFFF086  }
0x1c: {  	p1 =	slt.u32 s9, $0xF7A;
	s5 =	simm.s32 @!p2 $0x0  }
0x1d: {  	s5 =	simm.s32 @p1 $0x1;
	p0 =	seq.s32 s7, s2  }
0x1e: {  	s7 =	smul.u32 @!p0 $0xF7A, s2;
	p2 =	seq.s32 @!p0 s5, $0x0  }
0x1f: {  	s9 =	smul.u32 $0xF7A, s1;
	s8 =	simm.s32 @!p0 $0x1BF5;
	p2 =	por !p2, p0  }
0x20: {  	[sflag:s8] =	ssyncset.s32 @!p0 $0xFFFFF086;
	s6 =	sadd.s32 @!p0 s3, s7;
	s7 =	simm.s32 @!p0 $0x108  }
0x21: {  	s3 =	sadd.s32 s3, s9;
	s6 =	sadd.s32 @!p0 $0x88, s6;
	s7 =	simm.s32 @p2 $0x1082  }
0x22: {  	[simem:s7], [sflag:s8] =	dma.local @!p0 [hbm:s6], $0xF7A  }
0x23: {  	s9 =	sor.u32 $0xD0000000, s2;
	s6 =	simm.s32 $0x108;
	_ =	swait.ge @!p0 [sflag:s8], $0x0  }
0x24: {  	s3 =	sadd.s32 $0x88, s3;
	s6 =	simm.s32 @!p1 $0x1082;
	[sflag:s4] =	ssyncset.s32 $0xFFFFF086  }
0x25: {  	[simem:s6], [sflag:s4] =	dma.local [hbm:s3], $0xF7A  }
0x26: {  	[smem:$0x3F80] =	sst s1;
	(tag) =	ssettag s2;
	_ =	strace s9  }
0x27: {  	s1 =	sld [smem:$0x3F90]  }
0x28: {  	s2 =	sld [smem:$0x3F91]  }
0x29: {  	s4 =	sld [smem:$0x3F93]  }
0x2a: {  	p0 =	seq.s32 s5, $0x0;
	s5 =	sld [smem:$0x3F94]  }
0x2b: {  	s6 =	sld [smem:$0x3F95]  }
0x2c: {  	s7 =	sld [smem:$0x3F96]  }
0x2d: {  	s3 =	simm.s32 $0x108;
	s8 =	sld [smem:$0x3F97]  }
0x2e: {  	s3 =	simm.s32 @!p0 $0x1082;
	s9 =	sld [smem:$0x3F98]  }
0x2f: {  	lr =	sadd.s32 s0, s3;
	s0 =	sld [smem:$0x3F8F]  }
0x30: {  	s3 =	sld [smem:$0x3F92]  }
0x31: {  	[smem:$0x3F9B] =	sst s10  }
0x32: {  	s10 =	sld [smem:$0x3F99];
	_ =	sdelay $0x3  }
0x33: {  	p0 =	seq.s32 s10, $0x1;
	s10 =	sld [smem:$0x3F9B];
	_ =	sdelay $0x3  }
0x34: {  	[smem:$0x3F9B] =	sst s10  }
0x35: {  	s10 =	sld [smem:$0x3F9A];
	_ =	sdelay $0x3  }
0x36: {  	p1 =	seq.s32 s10, $0x1;
	s10 =	sld [smem:$0x3F9B];
	_ =	sdelay $0x3  }
0x37: {  	[smem:$0x3F9B] =	sst s10  }
0x38: {  	s10 =	sld [smem:$0x3F9C]  }
0x39: {  	_ = 	snop;
	(pc) =	sbr.ind lr, $3  }
0x3a: {  	_ = 	snop  }
0x3b: {  	_ = 	snop  }
0x3c: {  	p2 =	seq.s32 s10, $0x1;
	s10 =	sld [smem:$0x3F9B]  }
0x3d: {  	_ =	shalt  }
0x3e: {  	_ =	shalt  }
0x3f: {  	_ =	shalt  }
0x40: {  	_ =	shalt  }
0x41: {  	_ =	shalt  }
0x42: {  	_ =	shalt  }
0x43: {  	_ =	shalt  }
0x44: {  	_ =	shalt  }
0x45: {  	_ =	shalt  }
0x46: {  	_ =	shalt  }
0x47: {  	_ =	shalt  }
0x48: {  	_ =	shalt  }
0x49: {  	_ =	shalt  }
0x4a: {  	_ =	shalt  }
0x4b: {  	_ =	shalt  }
0x4c: {  	_ =	shalt  }
0x4d: {  	_ =	shalt  }
0x4e: {  	_ =	shalt  }
0x4f: {  	_ =	shalt  }
0x50: {  	_ =	shalt  }
0x51: {  	_ =	shalt  }
0x52: {  	_ =	shalt  }
0x53: {  	_ =	shalt  }
0x54: {  	_ =	shalt  }
0x55: {  	_ =	shalt  }
0x56: {  	_ =	shalt  }
0x57: {  	_ =	shalt  }
0x58: {  	_ =	shalt  }
0x59: {  	_ =	shalt  }
0x5a: {  	_ =	shalt  }
0x5b: {  	_ =	shalt  }
0x5c: {  	_ =	shalt  }
0x5d: {  	_ =	shalt  }
0x5e: {  	_ =	shalt  }
0x5f: {  	_ =	shalt  }
0x60: {  	_ =	shalt  }
0x61: {  	_ =	shalt  }
0x62: {  	_ =	shalt  }
0x63: {  	_ =	shalt  }
0x64: {  	_ =	shalt  }
0x65: {  	_ =	shalt  }
0x66: {  	_ =	shalt  }
0x67: {  	_ =	shalt  }
0x68: {  	_ =	shalt  }
0x69: {  	_ =	shalt  }
0x6a: {  	_ =	shalt  }
0x6b: {  	_ =	shalt  }
0x6c: {  	_ =	shalt  }
0x6d: {  	_ =	shalt  }
0x6e: {  	_ =	shalt  }
0x6f: {  	_ =	shalt  }
0x70: {  	_ =	shalt  }
0x71: {  	_ =	shalt  }
0x72: {  	_ =	shalt  }
0x73: {  	_ =	shalt  }
0x74: {  	_ =	shalt  }
0x75: {  	_ =	shalt  }
0x76: {  	_ =	shalt  }
0x77: {  	_ =	shalt  }
0x78: {  	_ =	shalt  }
0x79: {  	_ =	shalt  }
0x7a: {  	_ =	shalt  }
0x7b: {  	_ =	shalt  }
0x7c: {  	_ =	shalt  }
0x7d: {  	_ =	shalt  }
0x7e: {  	_ =	shalt  }
0x7f: {  	_ =	shalt  }
0x80: {  	_ =	shalt  }
0x81: {  	_ =	shalt  }
0x82: {  	_ =	shalt  }
0x83: {  	_ =	shalt  }
0x84: {  	_ =	shalt  }
0x85: {  	_ =	shalt  }
0x86: {  	_ =	shalt  }
0x87: {  	_ =	shalt  }
.Lfunc_end0:
.L_simem_size_0:
called_computation_lowered:
.L_overlay_start_0:
0x88: {  	s2 =	sld [smem:$0x3FD9]  }
0x89: {  	s3 =	sld [smem:$0x3FFE];
	_ =	sdelay $0x1  }
0x8a: {  	s1 =	srdreg.scid  }
0x8b: {  	s0 =	sand.u32 $0x1, s1  }
0x8c: {  	s16 =	sshll.u32 s0, $0xA;
	s2 =	sadd.s32 s3, s2  }
0x8d: {  	s2 =	sadd.s32 s2, s16  }
0x8e: {  	[smem:$0x3FA7] =	sst s2  }
0x8f: {  	_ = 	snop  }
0x90: {  	(tm) =	ssettm $0x1  }
0x91: {  	s17 =	sld [smem:$0x3FFB];
	_ =	sdelay $0x3  }
0x92: {  	_ =	strace s17  }
0x93: {  	s2 =	sld [smem:$0x3FFC];
	_ =	sdelay $0x3  }
0x94: {  	_ =	strace s2  }
0x95: {  	s2 =	sld [smem:$0x3FFD];
	_ =	sdelay $0x3  }
0x96: {  	_ =	strace s2  }
0x97: {  	_ =	strace $0x8FFFFFFF  }
0x98: {  	s18 =	sld [smem:$0x3FDB];
	_ =	sdelay $0x1  }
0x99: {  	s19 =	simm.s32 $_scs_section_size  }
0x9a: {  	s4 =	simm.s32 $_size__tile_overlayer_lowered;
	s5 =	simm.s32 $_tile_overlayer_lowered  }
0x9b: {  	s22 =	simm.s32 $0x1BFF;
	s21 =	sshll.u32 s5, $0x1;
	s2 =	sadd.s32 s19, s18  }
0x9c: {  	s6 =	simm.s32 $0x0;
	s20 =	sshll.u32 s4, $0x1;
	s4 =	sadd.s32 s21, s2  }
0x9d: {  	[timem:s6], [sflag:s22] =	dma.local [hbm:s4], s20  }
0x9e: {  	_ =	swait.ge [sflag:s22], s20  }
0x9f: {  	s3 =	ssub.s32 $0x0, s20;
	[sflag:s22] =	ssyncset.done $0x0  }
0xa0: {  	[sflag:s22] =	ssyncadd.s32 s3;
	_ =	sdelay $0x1  }
0xa1: {  	s23 =	simm.s32 $0x1B8B  }
0xa2: {  	_ =	swait.ge [sflag:s23], $0x1  }
0xa3: {  	[sflag:s23] =	ssyncset.done $0x0  }
0xa4: {  	s25 =	simm.s32 $0x1B8E;
	s24 =	sld [smem:$0x3FFE];
	[sflag:s23] =	ssyncadd.s32 $0xFFFFFFFF  }
0xa5: {  	s26 =	simm.s32 $execute0_lowered;
	[smem:$0x3FD2] =	sst s25  }
0xa6: {  	s4 =	sshll.u32 s26, $0x1;
	_ =	strace $0x80000046;
	[dreg:$0x1] =	wrdreg $0xFFFFFFFF  }
0xa7: {  	s28 =	simm.s32 $_size_execute0_lowered;
	s2 =	sadd.s32 s2, s4;
	[dreg:$0x0] =	wrdreg $0x0  }
0xa8: {  	s4 =	sshll.u32 s28, $0x1;
	[dreg:$0x2] =	wrdreg s2  }
0xa9: {  	[dreg:$0x3] =	wrdreg s4  }
0xaa: {  	[dreg:$0x4] =	wrdreg $0xC0  }
0xab: {  	_ =	task [dreg:s6], $0x5FFFF  }
0xac: {  	[dreg:$0x1] =	wrdreg $0xFFFFFFFF  }
0xad: {  	[dreg:$0x0] =	wrdreg $0x60  }
0xae: {  	[dreg:$0x2] =	wrdreg s24  }
0xaf: {  	[dreg:$0x3] =	wrdreg $0x82000  }
0xb0: {  	[dreg:$0x4] =	wrdreg $0x9  }
0xb1: {  	_ =	task.clear_ibuf [dreg:s6], $0x5FFFF;
	_ =	strace $0x90000046  }
0xb2: {  	s29 =	simm.s32 $0x9;
	_ =	strace $0x80000048  }
0xb3: {  	_ =	swait.ge [sflag:s29], $0x1  }
0xb4: {  	[sflag:s29] =	ssyncadd.s32 $0xFFFFFFFF  }
0xb5: {  	_ =	strace $0x90000048  }
0xb6: {  	_ =	sfence  }
0xb7: {  	s30 =	sld [smem:$0x0];
	_ =	sdelay $0x2  }
0xb8: {  	s31 =	sshll.u32 s1, $0xD;
	s1 =	sshrl.u32 s1, $0x2  }
0xb9: {  	s3 =	sand.u32 $0x4000, s31;
	s1 =	sadd.s32 s1, s30  }
0xba: {  	s0 =	sor.u32 s3, s0;
	s1 =	sshll.u32 s1, $0x11  }
0xbb: {  	s0 =	sor.u32 s1, s0  }
0xbc: {  	s0 =	sadd.s32 $0x8F2B, s0  }
0xbd: {  	[sflag:s0] =	ssyncadd.remote.s32 $0x1  }
0xbe: {  	_ =	sfence.sel $0xFFFF  }
0xbf: {  	[dreg:$0x0] =	wrdreg $0xFFFFFFFF;
	(pc) =	sbr.abs _section_cstart, $3  }
0xc0: {  	[dreg:$0x1] =	wrdreg $0xFFFFFFFF  }
0xc1: {  	_ =	task.clear_ibuf [dreg:s6], $0x2FFFF;
	_ =	strace $0x9FFFFFFF  }
0xc2: {  	(tm) =	ssettm $0x7FFFFFFF  }
0xc3: {  	_ =	shalt  }
tec
execute0_lowered:
.L_overlay_start_1:
0x0: {  	(tag) =	ssettag $0x1  }
0x1: {  	s0 =	rddreg [dreg:$0x0]  }
0x2: {  	s1 =	rddreg [dreg:$0x1]  }
0x3: {  	s2 =	simm.s32 $0x0;
	s3 =	srdreg.scid;
	s17 =	stileid.u32  }
0x4: {  	s29 =	simm.s32 $0x7;
	s30 =	simm.s32 $0x100;
	s31 =	simm.s32 $0x1  }
0x5: {  	[smem:$0x7FF] =	sst s2;
	s4 =	sadd.s32 $0x52800, s0;
	s5 =	sadd.s32 $0xB00800, s0  }
0x6: {  	s6 =	sadd.s32 $0x4000, s0;
	s3 =	sand.u32 $0x1, s3;
	s7 =	smul.u32 $0x270, s17  }
0x7: {  	s8 =	sadd.s32 $0xA0A00, s0;
	s12 =	smul.u32 $0x4E20, s17;
	s13 =	sadd.s32 $0xC7C00, s0  }
0x8: {  	s23 =	sadd.s32 $0x138000, s1;
	s0 =	sadd.s32 $0xC7A00, s0;
	s26 =	smul.u32 $0x4E000, s17  }
0x9: {  	p0 =	sne.s32 s17, $0xF;
	_ =	strace $0x80000047;
	s10 =	smul.u32 $0x4E200, s3  }
0xa: {  	s9 =	sshll.u32 s3, $0x4;
	[dreg:$0x3] =	wrdreg s23;
	s16 =	smul.u32 $0x138800, s3  }
0xb: {  	s11 =	ssub.s32 $0x2, s3;
	[dreg:$0x4] =	wrdreg s0;
	s3 =	smul.u32 $0x2710, s3  }
0xc: {  	s9 =	sor.u32 s17, s9;
	s14 =	sshrl.u32 s11, $0x1;
	s18 =	sadd.s32 $0xD0, s7  }
0xd: {  	s19 =	sadd.s32 $0x1A0, s7;
	s15 =	smul.u32 $0x2740, s9;
	s14 =	ssub.s32 s11, s14  }
0xe: {  	s9 =	smul.u32 $0x13A, s9;
	s11 =	sadd.s32 s12, s10;
	s25 =	sshrl.u32 s16, $0x3  }
0xf: {  	s16 =	smul.u32 $0x2700, s17;
	s20 =	sshll.u32 s18, $0x4;
	s21 =	sshll.u32 s19, $0x4  }
0x10: {  	s7 =	sadd.s32 s3, s7;
	s22 =	sadd.s32 s3, s18;
	s3 =	sadd.s32 s3, s19  }
0x11: {  	s12 =	simm.s32 $0x2200;
	s10 =	sshll.u32 s11, $0x4;
	s7 =	sshll.u32 s7, $0x4  }
0x12: {  	s23 =	sshll.u32 s22, $0x4;
	s3 =	sshll.u32 s3, $0x4;
	s24 =	sadd.s32 s6, s15  }
0x13: {  	s15 =	sadd.s32 s5, s10;
	s10 =	smax.u32 s14, $0x1;
	[dreg:$0x5] =	wrdreg s24  }
0x14: {  	s22 =	simm.s32 $0x0;
	s7 =	sadd.s32 s13, s7;
	[dreg:$0x9] =	wrdreg s10  }
0x15: {  	s14 =	sshrl.u32 s26, $0x2;
	s3 =	sadd.s32 s13, s3;
	[dreg:$0xe] =	wrdreg s7  }
0x16: {  	s0 =	sadd.s32 $0x20, s24;
	s10 =	sadd.s32 s8, s16;
	[dreg:$0x10] =	wrdreg s3  }
0x17: {  	s7 =	sadd.s32 s13, s23;
	s24 =	sshll.u32 s17, $0x6;
	[dreg:$0x7] =	wrdreg s15  }
0x18: {  	s28 =	sadd.s32 $0x400, s15;
	s3 =	simm.s32 $0x40;
	[dreg:$0x6] =	wrdreg s0  }
0x19: {  	s15 =	simm.s32 $0x3;
	s16 =	simm.s32 $0x5;
	[dreg:$0xb] =	wrdreg s10  }
0x1a: {  	s17 =	simm.s32 $0x80;
	s10 =	sadd.s32 s8, s20;
	[dreg:$0xf] =	wrdreg s7  }
0x1b: {  	s0 =	sadd.s32 s13, s25;
	s8 =	sadd.s32 s8, s21;
	[dreg:$0xc] =	wrdreg s10  }
0x1c: {  	s21 =	sor.u32 $0x1C07, s24;
	s25 =	sshll.u32 s19, $0x7;
	[dreg:$0xd] =	wrdreg s8  }
0x1d: {  	s7 =	simm.s32 $0x4200;
	s0 =	sadd.s32 $0x27000, s0;
	[dreg:$0x11] =	wrdreg s21  }
0x1e: {  	s19 =	simm.s32 $0x6;
	s26 =	sadd.s32 s25, s1;
	[dreg:$0x8] =	wrdreg s0  }
0x1f: {  	s20 =	simm.s32 $0x180;
	s0 =	sadd.s32 s14, s1;
	[dreg:$0x13] =	wrdreg s26  }
0x20: {  	s8 =	simm.s32 $0x2;
	[dreg:$0xa] =	wrdreg s0;
	s0 =	sshll.u32 s18, $0x7  }
0x21: {  	s26 =	sadd.s32 $0x3, s9;
	s14 =	simm.s32 $0x6200;
	s0 =	sadd.s32 s0, s1  }
0x22: {  	s18 =	simm.s32 $0x4;
	[dreg:$0x12] =	wrdreg s0;
	s0 =	simm.s32 $0x200  }
.LBB2_1:
0x23: {  	[dreg:$0x14] =	wrdreg s22  }
0x24: {  	s10 =	rddreg [dreg:$0xa]  }
0x25: {  	s25 =	rddreg [dreg:$0xb];
	s13 =	sshrl.u32 s10, $0x3  }
0x26: {  	[dreg:$0x15] =	wrdreg s13  }
0x27: {  	[spmem:s13], [sflag:s21] =	dma.local [hbm:s25], $0xD00  }
0x28: {  	_ =	swait.ge [sflag:s29], $0xD00  }
0x29: {  	s22 =	rddreg [dreg:$0x12]  }
0x2a: {  	[sflag:s29] =	ssyncset.done $0x0;
	s24 =	rddreg [dreg:$0xc];
	s23 =	sshrl.u32 s22, $0x3  }
0x2b: {  	[sflag:s29] =	ssyncadd.s32 $0xFFFFF300;
	[dreg:$0x16] =	wrdreg s23  }
0x2c: {  	[spmem:s23], [sflag:s21] =	dma.local [hbm:s24], $0xD00  }
0x2d: {  	_ =	swait.ge [sflag:s29], $0xD00  }
0x2e: {  	s25 =	rddreg [dreg:$0x13]  }
0x2f: {  	[sflag:s29] =	ssyncset.done $0x0;
	s22 =	rddreg [dreg:$0xd];
	s10 =	sshrl.u32 s25, $0x3  }
0x30: {  	[sflag:s29] =	ssyncadd.s32 $0xFFFFF300;
	[dreg:$0x17] =	wrdreg s10  }
0x31: {  	[spmem:s10], [sflag:s21] =	dma.local [hbm:s22], $0xD00  }
0x32: {  	_ =	swait.ge [sflag:s29], $0xD00  }
0x33: {  	s10 =	rddreg [dreg:$0x3]  }
0x34: {  	[sflag:s29] =	ssyncset.done $0x0;
	s13 =	rddreg [dreg:$0x4];
	s21 =	sshrl.u32 @!p0 s10, $0x3  }
0x35: {  	[sflag:s29] =	ssyncadd.s32 $0xFFFFF300;
	s10 =	simm.s32 @!p0 $0x1FC7;
	[dreg:$0x18] =	wrdreg s21  }
0x36: {  	[spmem:s21], [sflag:s10] =	dma.local @!p0 [hbm:s13], $0x180  }
0x37: {  	s10 =	simm.s32 @!p0 $0x7  }
0x38: {  	_ =	swait.ge @!p0 [sflag:s10], $0x180  }
0x39: {  	[sflag:s10] =	ssyncset.done @!p0 $0x0  }
0x3a: {  	[sflag:s10] =	ssyncadd.s32 @!p0 $0xFFFFFE80  }
0x3b: {  	[bflag:$0x0] =	sbarrier.arrive $0xFFFF  }
0x3c: {  	s23 =	rddreg [dreg:$0x5]  }
0x3d: {  	[tilespmem:s2], [sflag:$0x1] =	stream.linear.gather [hbm4b:s23+s2], $0x100, $0x38;
	[tilespmem:$0x1BAC0] =	vst v63  }
0x3e: {  	s24 =	rddreg [dreg:$0x6]  }
0x3f: {  	[tilespmem:s30], [sflag:$0x2] =	stream.linear.gather [hbm4b:s24+s2], $0x100, $0x38;
	[tilespmem:$0x1BAC0] =	vst v63  }
0x40: {  	_ =	swait.ge [sflag:s31], $0x100  }
0x41: {  	[sflag:s31] =	ssyncset.done $0x0  }
0x42: {  	s25 =	rddreg [dreg:$0x7];
	[sflag:s31] =	ssyncadd.s32 $0xFFFFFF00  }
0x43: {  	[tilespmem:s0], [sflag:$0x3] =	stream.linear.gather [hbm4b:s25+s2], $0x2000, $0x38;
	[tilespmem:$0x1BAC0] =	vst v63  }
0x44: {  	s13 =	simm.s32 $0x0  }
0x45: {  	[tilespmem:s7], [sflag:$0x5] =	stream.indirect.gather [hbm4b:s4+s3], $0x80, s2, s3, $0xb8;
	[tilespmem:$0x1BAC0] =	vst v63  }
.LBB2_2:
0x46: {  	_ =	swait.ge [sflag:s8], $0x100  }
0x47: {  	s10 =	sshll.u32 s13, $0xB;
	[sflag:s8] =	ssyncset.done $0x0  }
0x48: {  	s10 =	sadd.s32 s28, s10;
	[sflag:s8] =	ssyncadd.s32 $0xFFFFFF00  }
0x49: {  	[tilespmem:s12], [sflag:$0x4] =	stream.linear.gather [hbm4b:s10+s2], $0x2000, $0x38;
	[tilespmem:$0x1BAC0] =	vst v63  }
0x4a: {  	_ = 	snop  }
0x4b: {  	[tilespmem:s14], [sflag:$0x6] =	stream.indirect.gather [hbm4b:s4+s3], $0x80, s30, s3, $0xb8;
	[tilespmem:$0x1BAC0] =	vst v63  }
0x4c: {  	_ =	swait.ge [sflag:s15], $0x2000  }
0x4d: {  	[sflag:s15] =	ssyncset.done $0x0  }
0x4e: {  	[sflag:s15] =	ssyncadd.s32 $0xFFFFE000  }
0x4f: {  	_ =	swait.ge [sflag:s16], $0x2000  }
0x50: {  	[sflag:s16] =	ssyncset.done $0x0  }
0x51: {  	s22 =	simm.s32 $0x300;
	[sflag:s16] =	ssyncadd.s32 $0xFFFFE000  }
0x52: {  	s24 =	simm.s32 $0x4300;
	v0 =	vld [tilespmem:s22+$0x80]  }
0x53: {  	v1 =	vld [tilespmem:s24+$0x80]  }
0x54: {  	v2 =	vld [tilespmem:s24+$0xFFFFFF00]  }
0x55: {  	v3 =	vld [tilespmem:s22+$0xFFFFFF80]  }
0x56: {  	v4 =	vld [tilespmem:s24+$0xFFFFFF80]  }
0x57: {  	v5 =	vld [tilespmem:s24+$0x0]  }
0x58: {  	v0 =	vadd.f32 v1, v0;
	v1 =	vld [tilespmem:s22+$0x0]  }
0x59: {  	v6 =	vld [tilespmem:s22+$0xFFFFFF00]  }
0x5a: {  	v0 =	vmax.f32 v0, $0.0e+00  }
0x5b: {  	v3 =	vadd.f32 v4, v3;
	[tilespmem:s22+$0x80] =	vst v0;
	v0 =	vld [tilespmem:s22+$0x90]  }
0x5c: {  	v7 =	vld [tilespmem:s24+$0x90]  }
0x5d: {  	v8 =	vld [tilespmem:s22+$0xFFFFFF90];
	v3 =	vmax.f32 v3, $0.0e+00;
	v1 =	vadd.f32 v5, v1  }
0x5e: {  	v4 =	vld [tilespmem:s22+$0xFFFFFF10];
	v2 =	vadd.f32 v2, v6;
	[tilespmem:s22+$0xFFFFFF80] =	vst v3  }
0x5f: {  	v5 =	vld [tilespmem:s24+$0xFFFFFF90];
	v1 =	vmax.f32 v1, $0.0e+00  }
0x60: {  	v2 =	vmax.f32 v2, $0.0e+00;
	v3 =	vld [tilespmem:s22+$0x10];
	[tilespmem:s22+$0x0] =	vst v1  }
0x61: {  	[tilespmem:s22+$0xFFFFFF00] =	vst v2;
	v0 =	vadd.f32 v7, v0;
	v1 =	vld [tilespmem:s24+$0x10]  }
0x62: {  	v2 =	vld [tilespmem:s24+$0xFFFFFF10]  }
0x63: {  	v0 =	vmax.f32 v0, $0.0e+00  }
0x64: {  	v5 =	vadd.f32 v5, v8;
	[tilespmem:s22+$0x90] =	vst v0;
	v0 =	vld [tilespmem:s22+$0xA0]  }
0x65: {  	v7 =	vld [tilespmem:s24+$0xA0]  }
0x66: {  	v6 =	vld [tilespmem:s22+$0xFFFFFF20];
	v5 =	vmax.f32 v5, $0.0e+00;
	v1 =	vadd.f32 v1, v3  }
0x67: {  	v2 =	vadd.f32 v2, v4;
	v8 =	vld [tilespmem:s22+$0xFFFFFFA0];
	[tilespmem:s22+$0xFFFFFF90] =	vst v5  }
0x68: {  	v4 =	vld [tilespmem:s24+$0xFFFFFFA0];
	v1 =	vmax.f32 v1, $0.0e+00  }
0x69: {  	v2 =	vmax.f32 v2, $0.0e+00;
	v3 =	vld [tilespmem:s22+$0x20];
	[tilespmem:s22+$0x10] =	vst v1  }
0x6a: {  	[tilespmem:s22+$0xFFFFFF10] =	vst v2;
	v0 =	vadd.f32 v7, v0;
	v1 =	vld [tilespmem:s24+$0x20]  }
0x6b: {  	v2 =	vld [tilespmem:s24+$0xFFFFFF20]  }
0x6c: {  	v0 =	vmax.f32 v0, $0.0e+00  }
0x6d: {  	v4 =	vadd.f32 v4, v8;
	[tilespmem:s22+$0xA0] =	vst v0;
	v0 =	vld [tilespmem:s22+$0xB0]  }
0x6e: {  	v7 =	vld [tilespmem:s24+$0xB0]  }
0x6f: {  	v9 =	vld [tilespmem:s22+$0x30];
	v4 =	vmax.f32 v4, $0.0e+00;
	v1 =	vadd.f32 v1, v3  }
0x70: {  	v2 =	vadd.f32 v2, v6;
	v8 =	vld [tilespmem:s22+$0xFFFFFFB0];
	[tilespmem:s22+$0xFFFFFFA0] =	vst v4  }
0x71: {  	v3 =	vld [tilespmem:s24+$0xFFFFFFB0];
	v1 =	vmax.f32 v1, $0.0e+00  }
0x72: {  	v5 =	vld [tilespmem:s22+$0xFFFFFF30];
	[tilespmem:s22+$0x20] =	vst v1;
	v1 =	vmax.f32 v2, $0.0e+00  }
0x73: {  	v0 =	vadd.f32 v7, v0;
	[tilespmem:s22+$0xFFFFFF20] =	vst v1;
	v1 =	vld [tilespmem:s24+$0x30]  }
0x74: {  	v6 =	vld [tilespmem:s24+$0xFFFFFF30]  }
0x75: {  	v10 =	vld [tilespmem:s22+$0xFFFFFF40];
	v0 =	vmax.f32 v0, $0.0e+00  }
0x76: {  	v3 =	vadd.f32 v3, v8;
	[tilespmem:s22+$0xB0] =	vst v0;
	v0 =	vld [tilespmem:s22+$0xC0]  }
0x77: {  	v7 =	vld [tilespmem:s24+$0xC0]  }
0x78: {  	v11 =	vld [tilespmem:s22+$0xFFFFFFD0];
	v3 =	vmax.f32 v3, $0.0e+00;
	v1 =	vadd.f32 v1, v9  }
0x79: {  	v4 =	vld [tilespmem:s22+$0xFFFFFFC0];
	[tilespmem:s22+$0xFFFFFFB0] =	vst v3;
	v5 =	vadd.f32 v6, v5  }
0x7a: {  	v6 =	vld [tilespmem:s24+$0xFFFFFFC0];
	v1 =	vmax.f32 v1, $0.0e+00  }
0x7b: {  	v2 =	vld [tilespmem:s22+$0x40];
	[tilespmem:s22+$0x30] =	vst v1;
	v1 =	vmax.f32 v5, $0.0e+00  }
0x7c: {  	v0 =	vadd.f32 v7, v0;
	v5 =	vld [tilespmem:s24+$0x40];
	[tilespmem:s22+$0xFFFFFF30] =	vst v1  }
0x7d: {  	v1 =	vld [tilespmem:s24+$0xFFFFFF40]  }
0x7e: {  	v8 =	vld [tilespmem:s22+$0xFFFFFF50];
	v0 =	vmax.f32 v0, $0.0e+00  }
0x7f: {  	[tilespmem:s22+$0xC0] =	vst v0;
	v0 =	vadd.f32 v6, v4;
	v6 =	vld [tilespmem:s22+$0xD0]  }
0x80: {  	v7 =	vld [tilespmem:s24+$0xD0]  }
0x81: {  	v3 =	vld [tilespmem:s22+$0xFFFFFF60];
	v0 =	vmax.f32 v0, $0.0e+00;
	v2 =	vadd.f32 v5, v2  }
0x82: {  	v9 =	vld [tilespmem:s22+$0x50];
	[tilespmem:s22+$0xFFFFFFC0] =	vst v0;
	v0 =	vadd.f32 v1, v10  }
0x83: {  	v1 =	vld [tilespmem:s24+$0xFFFFFFD0];
	v2 =	vmax.f32 v2, $0.0e+00  }
0x84: {  	v4 =	vld [tilespmem:s22+$0xFFFFFFE0];
	[tilespmem:s22+$0x40] =	vst v2;
	v0 =	vmax.f32 v0, $0.0e+00  }
0x85: {  	v2 =	vld [tilespmem:s24+$0x50];
	v6 =	vadd.f32 v7, v6;
	[tilespmem:s22+$0xFFFFFF40] =	vst v0  }
0x86: {  	v0 =	vld [tilespmem:s24+$0xFFFFFF50]  }
0x87: {  	v5 =	vld [tilespmem:s22+$0x60];
	v6 =	vmax.f32 v6, $0.0e+00  }
0x88: {  	v1 =	vadd.f32 v1, v11;
	[tilespmem:s22+$0xD0] =	vst v6;
	v6 =	vld [tilespmem:s22+$0xE0]  }
0x89: {  	v10 =	vld [tilespmem:s24+$0xE0]  }
0x8a: {  	v1 =	vmax.f32 v1, $0.0e+00;
	v7 =	vadd.f32 v2, v9;
	v2 =	vld [tilespmem:s22+$0xFFFFFF70]  }
0x8b: {  	[tilespmem:s22+$0xFFFFFFD0] =	vst v1;
	v0 =	vadd.f32 v0, v8;
	v1 =	vld [tilespmem:s22+$0xFFFFFFF0]  }
0x8c: {  	v8 =	vmax.f32 v7, $0.0e+00;
	v7 =	vld [tilespmem:s24+$0xFFFFFFE0]  }
0x8d: {  	[tilespmem:s22+$0x50] =	vst v8;
	v8 =	vmax.f32 v0, $0.0e+00;
	v0 =	vld [tilespmem:s22+$0x70]  }
0x8e: {  	[tilespmem:s22+$0xFFFFFF50] =	vst v8;
	v8 =	vld [tilespmem:s24+$0x60];
	v6 =	vadd.f32 v10, v6  }
0x8f: {  	v9 =	vld [tilespmem:s24+$0xFFFFFF60]  }
0x90: {  	s25 =	simm.s32 $0x500;
	s23 =	simm.s32 $0x4300;
	s10 =	simm.s32 $0x0;
	v10 =	vmax.f32 v6, $0.0e+00;
	v6 =	vld [tilespmem:s22+$0xF0]  }
.LBB2_3:
0x91: {  	v11 =	vld [tilespmem:s25+$0x80];
	v4 =	vadd.f32 v7, v4;
	[tilespmem:s22+$0xE0] =	vst v10  }
0x92: {  	s23 =	sadd.s32 $0x200, s23;
	v7 =	vld [tilespmem:s24+$0xF0]  }
0x93: {  	s10 =	sadd.s32 $0x4, s10;
	v10 =	vld [tilespmem:s23+$0x80];
	v4 =	vmax.f32 v4, $0.0e+00;
	v5 =	vadd.f32 v8, v5  }
0x94: {  	p1 =	slt.u32 s10, $0x3C;
	v8 =	vld [tilespmem:s23+$0xFFFFFF00];
	v3 =	vadd.f32 v9, v3;
	[tilespmem:s22+$0xFFFFFFE0] =	vst v4  }
0x95: {  	v4 =	vld [tilespmem:s25+$0xFFFFFF80];
	v5 =	vmax.f32 v5, $0.0e+00  }
0x96: {  	v9 =	vld [tilespmem:s23+$0xFFFFFF80];
	v3 =	vmax.f32 v3, $0.0e+00;
	[tilespmem:s22+$0x60] =	vst v5  }
0x97: {  	v5 =	vld [tilespmem:s25+$0x0];
	[tilespmem:s22+$0xFFFFFF60] =	vst v3;
	v3 =	vadd.f32 v7, v6  }
0x98: {  	v6 =	vld [tilespmem:s23+$0x0];
	v7 =	vadd.f32 v10, v11  }
0x99: {  	v10 =	vld [tilespmem:s25+$0xFFFFFF00];
	v3 =	vmax.f32 v3, $0.0e+00  }
0x9a: {  	v11 =	vld [tilespmem:s25+$0xFFFFFF10];
	v7 =	vmax.f32 v7, $0.0e+00;
	[tilespmem:s22+$0xF0] =	vst v3  }
0x9b: {  	v3 =	vadd.f32 v9, v4;
	[tilespmem:s25+$0x80] =	vst v7;
	v4 =	vld [tilespmem:s25+$0x90]  }
0x9c: {  	v7 =	vld [tilespmem:s23+$0x90]  }
0x9d: {  	v3 =	vmax.f32 v3, $0.0e+00;
	v9 =	vld [tilespmem:s25+$0xFFFFFF90];
	v5 =	vadd.f32 v6, v5  }
0x9e: {  	v6 =	vadd.f32 v8, v10;
	[tilespmem:s25+$0xFFFFFF80] =	vst v3;
	v3 =	vld [tilespmem:s25+$0x10]  }
0x9f: {  	v8 =	vld [tilespmem:s23+$0xFFFFFF90];
	v5 =	vmax.f32 v5, $0.0e+00  }
0xa0: {  	v6 =	vmax.f32 v6, $0.0e+00;
	v10 =	vld [tilespmem:s25+$0xFFFFFF20];
	[tilespmem:s25+$0x0] =	vst v5  }
0xa1: {  	[tilespmem:s25+$0xFFFFFF00] =	vst v6;
	v5 =	vld [tilespmem:s23+$0x10];
	v4 =	vadd.f32 v7, v4  }
0xa2: {  	v6 =	vld [tilespmem:s23+$0xFFFFFF10]  }
0xa3: {  	v7 =	vld [tilespmem:s25+$0xFFFFFFA0];
	v4 =	vmax.f32 v4, $0.0e+00  }
0xa4: {  	v8 =	vadd.f32 v8, v9;
	[tilespmem:s25+$0x90] =	vst v4;
	v4 =	vld [tilespmem:s25+$0xA0]  }
0xa5: {  	v9 =	vld [tilespmem:s23+$0xA0]  }
0xa6: {  	v8 =	vmax.f32 v8, $0.0e+00;
	v3 =	vadd.f32 v5, v3;
	v5 =	vld [tilespmem:s25+$0x20]  }
0xa7: {  	v6 =	vadd.f32 v6, v11;
	v11 =	vld [tilespmem:s25+$0xFFFFFF30];
	[tilespmem:s25+$0xFFFFFF90] =	vst v8  }
0xa8: {  	v8 =	vld [tilespmem:s23+$0xFFFFFFA0];
	v3 =	vmax.f32 v3, $0.0e+00  }
0xa9: {  	v6 =	vmax.f32 v6, $0.0e+00;
	v12 =	vld [tilespmem:s25+$0xFFFFFFB0];
	[tilespmem:s25+$0x10] =	vst v3  }
0xaa: {  	[tilespmem:s25+$0xFFFFFF10] =	vst v6;
	v3 =	vld [tilespmem:s23+$0x20];
	v4 =	vadd.f32 v9, v4  }
0xab: {  	v6 =	vld [tilespmem:s23+$0xFFFFFF20]  }
0xac: {  	v9 =	vld [tilespmem:s25+$0x30];
	v4 =	vmax.f32 v4, $0.0e+00  }
0xad: {  	v7 =	vadd.f32 v8, v7;
	[tilespmem:s25+$0xA0] =	vst v4;
	v4 =	vld [tilespmem:s25+$0xB0]  }
0xae: {  	v8 =	vld [tilespmem:s23+$0xB0]  }
0xaf: {  	v13 =	vld [tilespmem:s25+$0xFFFFFF40];
	v7 =	vmax.f32 v7, $0.0e+00;
	v3 =	vadd.f32 v3, v5  }
0xb0: {  	v5 =	vadd.f32 v6, v10;
	[tilespmem:s25+$0xFFFFFFA0] =	vst v7;
	v6 =	vld [tilespmem:s25+$0xFFFFFFC0]  }
0xb1: {  	v7 =	vld [tilespmem:s23+$0xFFFFFFB0];
	v3 =	vmax.f32 v3, $0.0e+00  }
0xb2: {  	v5 =	vmax.f32 v5, $0.0e+00;
	[tilespmem:s25+$0x20] =	vst v3;
	v10 =	vld [tilespmem:s25+$0x40]  }
0xb3: {  	[tilespmem:s25+$0xFFFFFF20] =	vst v5;
	v3 =	vld [tilespmem:s23+$0x30];
	v4 =	vadd.f32 v8, v4  }
0xb4: {  	v5 =	vld [tilespmem:s23+$0xFFFFFF30]  }
0xb5: {  	v8 =	vld [tilespmem:s25+$0xFFFFFF50];
	v4 =	vmax.f32 v4, $0.0e+00  }
0xb6: {  	v7 =	vadd.f32 v7, v12;
	[tilespmem:s25+$0xB0] =	vst v4;
	v4 =	vld [tilespmem:s25+$0xC0]  }
0xb7: {  	v12 =	vld [tilespmem:s23+$0xC0]  }
0xb8: {  	v7 =	vmax.f32 v7, $0.0e+00;
	v14 =	vld [tilespmem:s25+$0xFFFFFFD0];
	v3 =	vadd.f32 v3, v9  }
0xb9: {  	v5 =	vadd.f32 v5, v11;
	[tilespmem:s25+$0xFFFFFFB0] =	vst v7;
	v7 =	vld [tilespmem:s25+$0x50]  }
0xba: {  	v9 =	vld [tilespmem:s23+$0xFFFFFFC0];
	v11 =	vmax.f32 v3, $0.0e+00  }
0xbb: {  	v5 =	vmax.f32 v5, $0.0e+00;
	v3 =	vld [tilespmem:s25+$0xFFFFFF60];
	[tilespmem:s25+$0x30] =	vst v11  }
0xbc: {  	[tilespmem:s25+$0xFFFFFF30] =	vst v5;
	v5 =	vld [tilespmem:s23+$0x40];
	v11 =	vadd.f32 v12, v4  }
0xbd: {  	v12 =	vld [tilespmem:s23+$0xFFFFFF40]  }
0xbe: {  	v4 =	vld [tilespmem:s25+$0xFFFFFFE0];
	v11 =	vmax.f32 v11, $0.0e+00  }
0xbf: {  	v6 =	vadd.f32 v9, v6;
	[tilespmem:s25+$0xC0] =	vst v11;
	v9 =	vld [tilespmem:s25+$0xD0]  }
0xc0: {  	v11 =	vld [tilespmem:s23+$0xD0]  }
0xc1: {  	v6 =	vmax.f32 v6, $0.0e+00;
	v10 =	vadd.f32 v5, v10;
	v5 =	vld [tilespmem:s25+$0x60]  }
0xc2: {  	v12 =	vadd.f32 v12, v13;
	[tilespmem:s25+$0xFFFFFFC0] =	vst v6;
	v6 =	vld [tilespmem:s24+$0xFFFFFF70]  }
0xc3: {  	v13 =	vld [tilespmem:s23+$0xFFFFFFD0];
	v10 =	vmax.f32 v10, $0.0e+00  }
0xc4: {  	v12 =	vmax.f32 v12, $0.0e+00;
	[tilespmem:s25+$0x40] =	vst v10;
	v10 =	vld [tilespmem:s24+$0xFFFFFFF0]  }
0xc5: {  	[tilespmem:s25+$0xFFFFFF40] =	vst v12;
	v12 =	vld [tilespmem:s23+$0x50];
	v9 =	vadd.f32 v11, v9  }
0xc6: {  	v11 =	vld [tilespmem:s23+$0xFFFFFF50]  }
0xc7: {  	v9 =	vmax.f32 v9, $0.0e+00;
	v2 =	vadd.f32 v6, v2;
	v6 =	vld [tilespmem:s24+$0x70];
	s24 =	smov.u32 s23  }
0xc8: {  	v13 =	vadd.f32 v13, v14;
	[tilespmem:s25+$0xD0] =	vst v9;
	v9 =	vld [tilespmem:s25+$0xE0]  }
0xc9: {  	v14 =	vld [tilespmem:s23+$0xE0];
	v15 =	vmax.f32 v2, $0.0e+00;
	v10 =	vadd.f32 v10, v1  }
0xca: {  	v2 =	vld [tilespmem:s25+$0xFFFFFF70];
	v1 =	vmax.f32 v13, $0.0e+00;
	v12 =	vadd.f32 v12, v7;
	[tilespmem:s22+$0xFFFFFF70] =	vst v15  }
0xcb: {  	v8 =	vadd.f32 v11, v8;
	[tilespmem:s25+$0xFFFFFFD0] =	vst v1;
	v1 =	vld [tilespmem:s25+$0xFFFFFFF0];
	v10 =	vmax.f32 v10, $0.0e+00  }
.Ltmp0:
0xcc: {  	v7 =	vld [tilespmem:s23+$0xFFFFFFE0];
	v11 =	vmax.f32 v12, $0.0e+00;
	[tilespmem:s22+$0xFFFFFFF0] =	vst v10;
	v6 =	vadd.f32 v6, v0;
	(pc) =	sbr.rel @p1 .LBB2_3-.Ltmp0, $4  }
0xcd: {  	v8 =	vmax.f32 v8, $0.0e+00;
	[tilespmem:s25+$0x50] =	vst v11;
	v0 =	vld [tilespmem:s25+$0x70]  }
0xce: {  	[tilespmem:s25+$0xFFFFFF50] =	vst v8;
	v8 =	vld [tilespmem:s23+$0x60];
	v10 =	vadd.f32 v14, v9;
	v6 =	vmax.f32 v6, $0.0e+00  }
0xcf: {  	v9 =	vld [tilespmem:s23+$0xFFFFFF60];
	[tilespmem:s22+$0x70] =	vst v6;
	s22 =	smov.u32 s25  }
0xd0: {  	s25 =	sadd.s32 $0x200, s25;
	v10 =	vmax.f32 v10, $0.0e+00;
	v6 =	vld [tilespmem:s22+$0xF0]  }
0xd1: {  	_ =	sdelay $0x2  }
0xd2: {  	v3 =	vadd.f32 v9, v3  }
0xd3: {  	v4 =	vadd.f32 v7, v4  }
0xd4: {  	[tilespmem:s22+$0xE0] =	vst v10;
	v5 =	vadd.f32 v8, v5;
	v3 =	vmax.f32 v3, $0.0e+00  }
0xd5: {  	v7 =	vld [tilespmem:s24+$0xF0];
	v4 =	vmax.f32 v4, $0.0e+00;
	[tilespmem:s22+$0xFFFFFF60] =	vst v3  }
0xd6: {  	[tilespmem:s22+$0xFFFFFFE0] =	vst v4;
	v3 =	vmax.f32 v5, $0.0e+00;
	v4 =	vld [tilespmem:s24+$0xFFFFFF70]  }
0xd7: {  	[tilespmem:s22+$0x60] =	vst v3;
	v3 =	vld [tilespmem:s24+$0xFFFFFFF0]  }
0xd8: {  	v5 =	vld [tilespmem:s24+$0x70];
	_ =	sdelay $0x1  }
0xd9: {  	v6 =	vadd.f32 v7, v6  }
0xda: {  	v2 =	vadd.f32 v4, v2  }
0xdb: {  	v4 =	vmax.f32 v6, $0.0e+00;
	v1 =	vadd.f32 v3, v1  }
0xdc: {  	[tilespmem:s22+$0xF0] =	vst v4;
	v0 =	vadd.f32 v5, v0;
	v2 =	vmax.f32 v2, $0.0e+00  }
0xdd: {  	v1 =	vmax.f32 v1, $0.0e+00;
	[tilespmem:s22+$0xFFFFFF70] =	vst v2  }
0xde: {  	[tilespmem:s22+$0xFFFFFFF0] =	vst v1;
	v0 =	vmax.f32 v0, $0.0e+00  }
0xdf: {  	[tilespmem:s22+$0x70] =	vst v0;
	s22 =	sshll.u32 s13, $0x1  }
0xe0: {  	[spmem:s1] =	stream.indirect.scatter.add.f32 [tilespmem:s0], [sflag:$0x7], $0x80, s17, s3, $0xb8;
	[tilespmem:$0x1BAC0] =	vst v63  }
0xe1: {  	s10 =	sadd.s32 $0x2, s22  }
0xe2: {  	s21 =	sadd.s32 s9, s10  }
0xe3: {  	_ =	swait.ge [sflag:s29], $0x2000;
	s21 =	sshll.u32 s21, $0x5  }
0xe4: {  	s10 =	sshll.u32 s10, $0x6;
	[sflag:s29] =	ssyncset.done $0x0;
	s21 =	sand.u32 $0x1FFFFFC0, s21  }
0xe5: {  	s10 =	smin.u32 s10, $0x4DE0;
	[sflag:s29] =	ssyncadd.s32 $0xFFFFE000;
	s21 =	sadd.s32 s6, s21  }
0xe6: {  	[tilespmem:s2], [sflag:$0x1] =	stream.linear.gather [hbm4b:s21+s2], $0x100, $0x38;
	[tilespmem:$0x1BAC0] =	vst v63  }
0xe7: {  	s10 =	sadd.s32 s11, s10;
	_ =	swait.ge [sflag:s31], $0x100  }
0xe8: {  	s10 =	sshll.u32 s10, $0x4;
	[sflag:s31] =	ssyncset.done $0x0  }
0xe9: {  	s10 =	sadd.s32 s5, s10;
	[sflag:s31] =	ssyncadd.s32 $0xFFFFFF00  }
0xea: {  	[tilespmem:s0], [sflag:$0x3] =	stream.linear.gather [hbm4b:s10+s2], $0x2000, $0x38;
	[tilespmem:$0x1BAC0] =	vst v63  }
0xeb: {  	_ = 	snop  }
0xec: {  	[tilespmem:s7], [sflag:$0x5] =	stream.indirect.gather [hbm4b:s4+s3], $0x80, s2, s3, $0xb8;
	[tilespmem:$0x1BAC0] =	vst v63  }
0xed: {  	_ =	swait.ge [sflag:s18], $0x2000  }
0xee: {  	[sflag:s18] =	ssyncset.done $0x0  }
0xef: {  	[sflag:s18] =	ssyncadd.s32 $0xFFFFE000  }
0xf0: {  	_ =	swait.ge [sflag:s19], $0x2000  }
0xf1: {  	[sflag:s19] =	ssyncset.done $0x0  }
0xf2: {  	s24 =	simm.s32 $0x2300;
	[sflag:s19] =	ssyncadd.s32 $0xFFFFE000  }
0xf3: {  	s10 =	simm.s32 $0x6300;
	v0 =	vld [tilespmem:s24+$0x80]  }
0xf4: {  	v1 =	vld [tilespmem:s10+$0x80]  }
0xf5: {  	v2 =	vld [tilespmem:s10+$0xFFFFFF00]  }
0xf6: {  	v3 =	vld [tilespmem:s24+$0xFFFFFF80]  }
0xf7: {  	v4 =	vld [tilespmem:s10+$0xFFFFFF80]  }
0xf8: {  	v5 =	vld [tilespmem:s10+$0x0]  }
0xf9: {  	v0 =	vadd.f32 v1, v0;
	v1 =	vld [tilespmem:s24+$0x0]  }
0xfa: {  	v6 =	vld [tilespmem:s24+$0xFFFFFF00]  }
0xfb: {  	v0 =	vmax.f32 v0, $0.0e+00  }
0xfc: {  	v3 =	vadd.f32 v4, v3;
	[tilespmem:s24+$0x80] =	vst v0;
	v0 =	vld [tilespmem:s24+$0x90]  }
0xfd: {  	v7 =	vld [tilespmem:s10+$0x90]  }
0xfe: {  	v8 =	vld [tilespmem:s24+$0xFFFFFF90];
	v3 =	vmax.f32 v3, $0.0e+00;
	v1 =	vadd.f32 v5, v1  }
0xff: {  	v4 =	vld [tilespmem:s24+$0xFFFFFF10];
	v2 =	vadd.f32 v2, v6;
	[tilespmem:s24+$0xFFFFFF80] =	vst v3  }
0x100: {  	v5 =	vld [tilespmem:s10+$0xFFFFFF90];
	v1 =	vmax.f32 v1, $0.0e+00  }
0x101: {  	v2 =	vmax.f32 v2, $0.0e+00;
	v3 =	vld [tilespmem:s24+$0x10];
	[tilespmem:s24+$0x0] =	vst v1  }
0x102: {  	[tilespmem:s24+$0xFFFFFF00] =	vst v2;
	v0 =	vadd.f32 v7, v0;
	v1 =	vld [tilespmem:s10+$0x10]  }
0x103: {  	v2 =	vld [tilespmem:s10+$0xFFFFFF10]  }
0x104: {  	v0 =	vmax.f32 v0, $0.0e+00  }
0x105: {  	v5 =	vadd.f32 v5, v8;
	[tilespmem:s24+$0x90] =	vst v0;
	v0 =	vld [tilespmem:s24+$0xA0]  }
0x106: {  	v7 =	vld [tilespmem:s10+$0xA0]  }
0x107: {  	v6 =	vld [tilespmem:s24+$0xFFFFFF20];
	v5 =	vmax.f32 v5, $0.0e+00;
	v1 =	vadd.f32 v1, v3  }
0x108: {  	v2 =	vadd.f32 v2, v4;
	v8 =	vld [tilespmem:s24+$0xFFFFFFA0];
	[tilespmem:s24+$0xFFFFFF90] =	vst v5  }
0x109: {  	v4 =	vld [tilespmem:s10+$0xFFFFFFA0];
	v1 =	vmax.f32 v1, $0.0e+00  }
0x10a: {  	v2 =	vmax.f32 v2, $0.0e+00;
	v3 =	vld [tilespmem:s24+$0x20];
	[tilespmem:s24+$0x10] =	vst v1  }
0x10b: {  	[tilespmem:s24+$0xFFFFFF10] =	vst v2;
	v0 =	vadd.f32 v7, v0;
	v1 =	vld [tilespmem:s10+$0x20]  }
0x10c: {  	v2 =	vld [tilespmem:s10+$0xFFFFFF20]  }
0x10d: {  	v0 =	vmax.f32 v0, $0.0e+00  }
0x10e: {  	v4 =	vadd.f32 v4, v8;
	[tilespmem:s24+$0xA0] =	vst v0;
	v0 =	vld [tilespmem:s24+$0xB0]  }
0x10f: {  	v7 =	vld [tilespmem:s10+$0xB0]  }
0x110: {  	v9 =	vld [tilespmem:s24+$0x30];
	v4 =	vmax.f32 v4, $0.0e+00;
	v1 =	vadd.f32 v1, v3  }
0x111: {  	v2 =	vadd.f32 v2, v6;
	v8 =	vld [tilespmem:s24+$0xFFFFFFB0];
	[tilespmem:s24+$0xFFFFFFA0] =	vst v4  }
0x112: {  	v3 =	vld [tilespmem:s10+$0xFFFFFFB0];
	v1 =	vmax.f32 v1, $0.0e+00  }
0x113: {  	v5 =	vld [tilespmem:s24+$0xFFFFFF30];
	[tilespmem:s24+$0x20] =	vst v1;
	v1 =	vmax.f32 v2, $0.0e+00  }
0x114: {  	v0 =	vadd.f32 v7, v0;
	[tilespmem:s24+$0xFFFFFF20] =	vst v1;
	v1 =	vld [tilespmem:s10+$0x30]  }
0x115: {  	v6 =	vld [tilespmem:s10+$0xFFFFFF30]  }
0x116: {  	v10 =	vld [tilespmem:s24+$0xFFFFFF40];
	v0 =	vmax.f32 v0, $0.0e+00  }
0x117: {  	v3 =	vadd.f32 v3, v8;
	[tilespmem:s24+$0xB0] =	vst v0;
	v0 =	vld [tilespmem:s24+$0xC0]  }
0x118: {  	v7 =	vld [tilespmem:s10+$0xC0]  }
0x119: {  	v11 =	vld [tilespmem:s24+$0xFFFFFFD0];
	v3 =	vmax.f32 v3, $0.0e+00;
	v1 =	vadd.f32 v1, v9  }
0x11a: {  	v4 =	vld [tilespmem:s24+$0xFFFFFFC0];
	[tilespmem:s24+$0xFFFFFFB0] =	vst v3;
	v5 =	vadd.f32 v6, v5  }
0x11b: {  	v6 =	vld [tilespmem:s10+$0xFFFFFFC0];
	v1 =	vmax.f32 v1, $0.0e+00  }
0x11c: {  	v2 =	vld [tilespmem:s24+$0x40];
	[tilespmem:s24+$0x30] =	vst v1;
	v1 =	vmax.f32 v5, $0.0e+00  }
0x11d: {  	v0 =	vadd.f32 v7, v0;
	v5 =	vld [tilespmem:s10+$0x40];
	[tilespmem:s24+$0xFFFFFF30] =	vst v1  }
0x11e: {  	v1 =	vld [tilespmem:s10+$0xFFFFFF40]  }
0x11f: {  	v8 =	vld [tilespmem:s24+$0xFFFFFF50];
	v0 =	vmax.f32 v0, $0.0e+00  }
0x120: {  	[tilespmem:s24+$0xC0] =	vst v0;
	v0 =	vadd.f32 v6, v4;
	v6 =	vld [tilespmem:s24+$0xD0]  }
0x121: {  	v7 =	vld [tilespmem:s10+$0xD0]  }
0x122: {  	v3 =	vld [tilespmem:s24+$0xFFFFFF60];
	v0 =	vmax.f32 v0, $0.0e+00;
	v2 =	vadd.f32 v5, v2  }
0x123: {  	v9 =	vld [tilespmem:s24+$0x50];
	[tilespmem:s24+$0xFFFFFFC0] =	vst v0;
	v0 =	vadd.f32 v1, v10  }
0x124: {  	v1 =	vld [tilespmem:s10+$0xFFFFFFD0];
	v2 =	vmax.f32 v2, $0.0e+00  }
0x125: {  	v4 =	vld [tilespmem:s24+$0xFFFFFFE0];
	[tilespmem:s24+$0x40] =	vst v2;
	v0 =	vmax.f32 v0, $0.0e+00  }
0x126: {  	v2 =	vld [tilespmem:s10+$0x50];
	v6 =	vadd.f32 v7, v6;
	[tilespmem:s24+$0xFFFFFF40] =	vst v0  }
0x127: {  	v0 =	vld [tilespmem:s10+$0xFFFFFF50]  }
0x128: {  	v5 =	vld [tilespmem:s24+$0x60];
	v6 =	vmax.f32 v6, $0.0e+00  }
0x129: {  	v1 =	vadd.f32 v1, v11;
	[tilespmem:s24+$0xD0] =	vst v6;
	v6 =	vld [tilespmem:s24+$0xE0]  }
0x12a: {  	v10 =	vld [tilespmem:s10+$0xE0]  }
0x12b: {  	v1 =	vmax.f32 v1, $0.0e+00;
	v7 =	vadd.f32 v2, v9;
	v2 =	vld [tilespmem:s24+$0xFFFFFF70]  }
0x12c: {  	[tilespmem:s24+$0xFFFFFFD0] =	vst v1;
	v0 =	vadd.f32 v0, v8;
	v1 =	vld [tilespmem:s24+$0xFFFFFFF0]  }
0x12d: {  	v8 =	vmax.f32 v7, $0.0e+00;
	v7 =	vld [tilespmem:s10+$0xFFFFFFE0]  }
0x12e: {  	[tilespmem:s24+$0x50] =	vst v8;
	v8 =	vmax.f32 v0, $0.0e+00;
	v0 =	vld [tilespmem:s24+$0x70]  }
0x12f: {  	[tilespmem:s24+$0xFFFFFF50] =	vst v8;
	v8 =	vld [tilespmem:s10+$0x60];
	v6 =	vadd.f32 v10, v6  }
0x130: {  	v9 =	vld [tilespmem:s10+$0xFFFFFF60]  }
0x131: {  	s25 =	simm.s32 $0x0;
	s23 =	simm.s32 $0x2500;
	s21 =	simm.s32 $0x6300;
	v10 =	vmax.f32 v6, $0.0e+00;
	v6 =	vld [tilespmem:s24+$0xF0]  }
.LBB2_5:
0x132: {  	v11 =	vld [tilespmem:s23+$0x80];
	v4 =	vadd.f32 v7, v4;
	[tilespmem:s24+$0xE0] =	vst v10  }
0x133: {  	s21 =	sadd.s32 $0x200, s21;
	v7 =	vld [tilespmem:s10+$0xF0]  }
0x134: {  	s25 =	sadd.s32 $0x4, s25;
	v10 =	vld [tilespmem:s21+$0x80];
	v4 =	vmax.f32 v4, $0.0e+00;
	v5 =	vadd.f32 v8, v5  }
0x135: {  	p1 =	slt.u32 s25, $0x3C;
	v8 =	vld [tilespmem:s21+$0xFFFFFF00];
	v3 =	vadd.f32 v9, v3;
	[tilespmem:s24+$0xFFFFFFE0] =	vst v4  }
0x136: {  	v4 =	vld [tilespmem:s23+$0xFFFFFF80];
	v5 =	vmax.f32 v5, $0.0e+00  }
0x137: {  	v9 =	vld [tilespmem:s21+$0xFFFFFF80];
	v3 =	vmax.f32 v3, $0.0e+00;
	[tilespmem:s24+$0x60] =	vst v5  }
0x138: {  	v5 =	vld [tilespmem:s23+$0x0];
	[tilespmem:s24+$0xFFFFFF60] =	vst v3;
	v3 =	vadd.f32 v7, v6  }
0x139: {  	v6 =	vld [tilespmem:s21+$0x0];
	v7 =	vadd.f32 v10, v11  }
0x13a: {  	v10 =	vld [tilespmem:s23+$0xFFFFFF00];
	v3 =	vmax.f32 v3, $0.0e+00  }
0x13b: {  	v11 =	vld [tilespmem:s23+$0xFFFFFF10];
	v7 =	vmax.f32 v7, $0.0e+00;
	[tilespmem:s24+$0xF0] =	vst v3  }
0x13c: {  	v3 =	vadd.f32 v9, v4;
	[tilespmem:s23+$0x80] =	vst v7;
	v4 =	vld [tilespmem:s23+$0x90]  }
0x13d: {  	v7 =	vld [tilespmem:s21+$0x90]  }
0x13e: {  	v3 =	vmax.f32 v3, $0.0e+00;
	v9 =	vld [tilespmem:s23+$0xFFFFFF90];
	v5 =	vadd.f32 v6, v5  }
0x13f: {  	v6 =	vadd.f32 v8, v10;
	[tilespmem:s23+$0xFFFFFF80] =	vst v3;
	v3 =	vld [tilespmem:s23+$0x10]  }
0x140: {  	v8 =	vld [tilespmem:s21+$0xFFFFFF90];
	v5 =	vmax.f32 v5, $0.0e+00  }
0x141: {  	v6 =	vmax.f32 v6, $0.0e+00;
	v10 =	vld [tilespmem:s23+$0xFFFFFF20];
	[tilespmem:s23+$0x0] =	vst v5  }
0x142: {  	[tilespmem:s23+$0xFFFFFF00] =	vst v6;
	v5 =	vld [tilespmem:s21+$0x10];
	v4 =	vadd.f32 v7, v4  }
0x143: {  	v6 =	vld [tilespmem:s21+$0xFFFFFF10]  }
0x144: {  	v7 =	vld [tilespmem:s23+$0xFFFFFFA0];
	v4 =	vmax.f32 v4, $0.0e+00  }
0x145: {  	v8 =	vadd.f32 v8, v9;
	[tilespmem:s23+$0x90] =	vst v4;
	v4 =	vld [tilespmem:s23+$0xA0]  }
0x146: {  	v9 =	vld [tilespmem:s21+$0xA0]  }
0x147: {  	v8 =	vmax.f32 v8, $0.0e+00;
	v3 =	vadd.f32 v5, v3;
	v5 =	vld [tilespmem:s23+$0x20]  }
0x148: {  	v6 =	vadd.f32 v6, v11;
	v11 =	vld [tilespmem:s23+$0xFFFFFF30];
	[tilespmem:s23+$0xFFFFFF90] =	vst v8  }
0x149: {  	v8 =	vld [tilespmem:s21+$0xFFFFFFA0];
	v3 =	vmax.f32 v3, $0.0e+00  }
0x14a: {  	v6 =	vmax.f32 v6, $0.0e+00;
	v12 =	vld [tilespmem:s23+$0xFFFFFFB0];
	[tilespmem:s23+$0x10] =	vst v3  }
0x14b: {  	[tilespmem:s23+$0xFFFFFF10] =	vst v6;
	v3 =	vld [tilespmem:s21+$0x20];
	v4 =	vadd.f32 v9, v4  }
0x14c: {  	v6 =	vld [tilespmem:s21+$0xFFFFFF20]  }
0x14d: {  	v9 =	vld [tilespmem:s23+$0x30];
	v4 =	vmax.f32 v4, $0.0e+00  }
0x14e: {  	v7 =	vadd.f32 v8, v7;
	[tilespmem:s23+$0xA0] =	vst v4;
	v4 =	vld [tilespmem:s23+$0xB0]  }
0x14f: {  	v8 =	vld [tilespmem:s21+$0xB0]  }
0x150: {  	v13 =	vld [tilespmem:s23+$0xFFFFFF40];
	v7 =	vmax.f32 v7, $0.0e+00;
	v3 =	vadd.f32 v3, v5  }
0x151: {  	v5 =	vadd.f32 v6, v10;
	[tilespmem:s23+$0xFFFFFFA0] =	vst v7;
	v6 =	vld [tilespmem:s23+$0xFFFFFFC0]  }
0x152: {  	v7 =	vld [tilespmem:s21+$0xFFFFFFB0];
	v3 =	vmax.f32 v3, $0.0e+00  }
0x153: {  	v5 =	vmax.f32 v5, $0.0e+00;
	[tilespmem:s23+$0x20] =	vst v3;
	v10 =	vld [tilespmem:s23+$0x40]  }
0x154: {  	[tilespmem:s23+$0xFFFFFF20] =	vst v5;
	v3 =	vld [tilespmem:s21+$0x30];
	v4 =	vadd.f32 v8, v4  }
0x155: {  	v5 =	vld [tilespmem:s21+$0xFFFFFF30]  }
0x156: {  	v8 =	vld [tilespmem:s23+$0xFFFFFF50];
	v4 =	vmax.f32 v4, $0.0e+00  }
0x157: {  	v7 =	vadd.f32 v7, v12;
	[tilespmem:s23+$0xB0] =	vst v4;
	v4 =	vld [tilespmem:s23+$0xC0]  }
0x158: {  	v12 =	vld [tilespmem:s21+$0xC0]  }
0x159: {  	v7 =	vmax.f32 v7, $0.0e+00;
	v14 =	vld [tilespmem:s23+$0xFFFFFFD0];
	v3 =	vadd.f32 v3, v9  }
0x15a: {  	v5 =	vadd.f32 v5, v11;
	[tilespmem:s23+$0xFFFFFFB0] =	vst v7;
	v7 =	vld [tilespmem:s23+$0x50]  }
0x15b: {  	v9 =	vld [tilespmem:s21+$0xFFFFFFC0];
	v11 =	vmax.f32 v3, $0.0e+00  }
0x15c: {  	v5 =	vmax.f32 v5, $0.0e+00;
	v3 =	vld [tilespmem:s23+$0xFFFFFF60];
	[tilespmem:s23+$0x30] =	vst v11  }
0x15d: {  	[tilespmem:s23+$0xFFFFFF30] =	vst v5;
	v5 =	vld [tilespmem:s21+$0x40];
	v11 =	vadd.f32 v12, v4  }
0x15e: {  	v12 =	vld [tilespmem:s21+$0xFFFFFF40]  }
0x15f: {  	v4 =	vld [tilespmem:s23+$0xFFFFFFE0];
	v11 =	vmax.f32 v11, $0.0e+00  }
0x160: {  	v6 =	vadd.f32 v9, v6;
	[tilespmem:s23+$0xC0] =	vst v11;
	v9 =	vld [tilespmem:s23+$0xD0]  }
0x161: {  	v11 =	vld [tilespmem:s21+$0xD0]  }
0x162: {  	v6 =	vmax.f32 v6, $0.0e+00;
	v10 =	vadd.f32 v5, v10;
	v5 =	vld [tilespmem:s23+$0x60]  }
0x163: {  	v12 =	vadd.f32 v12, v13;
	[tilespmem:s23+$0xFFFFFFC0] =	vst v6;
	v6 =	vld [tilespmem:s10+$0xFFFFFF70]  }
0x164: {  	v13 =	vld [tilespmem:s21+$0xFFFFFFD0];
	v10 =	vmax.f32 v10, $0.0e+00  }
0x165: {  	v12 =	vmax.f32 v12, $0.0e+00;
	[tilespmem:s23+$0x40] =	vst v10;
	v10 =	vld [tilespmem:s10+$0xFFFFFFF0]  }
0x166: {  	[tilespmem:s23+$0xFFFFFF40] =	vst v12;
	v12 =	vld [tilespmem:s21+$0x50];
	v9 =	vadd.f32 v11, v9  }
0x167: {  	v11 =	vld [tilespmem:s21+$0xFFFFFF50]  }
0x168: {  	v9 =	vmax.f32 v9, $0.0e+00;
	v2 =	vadd.f32 v6, v2;
	v6 =	vld [tilespmem:s10+$0x70];
	s10 =	smov.u32 s21  }
0x169: {  	v13 =	vadd.f32 v13, v14;
	[tilespmem:s23+$0xD0] =	vst v9;
	v9 =	vld [tilespmem:s23+$0xE0]  }
0x16a: {  	v14 =	vld [tilespmem:s21+$0xE0];
	v15 =	vmax.f32 v2, $0.0e+00;
	v10 =	vadd.f32 v10, v1  }
0x16b: {  	v2 =	vld [tilespmem:s23+$0xFFFFFF70];
	v1 =	vmax.f32 v13, $0.0e+00;
	v12 =	vadd.f32 v12, v7;
	[tilespmem:s24+$0xFFFFFF70] =	vst v15  }
0x16c: {  	v8 =	vadd.f32 v11, v8;
	[tilespmem:s23+$0xFFFFFFD0] =	vst v1;
	v1 =	vld [tilespmem:s23+$0xFFFFFFF0];
	v10 =	vmax.f32 v10, $0.0e+00  }
.Ltmp1:
0x16d: {  	v7 =	vld [tilespmem:s21+$0xFFFFFFE0];
	v11 =	vmax.f32 v12, $0.0e+00;
	[tilespmem:s24+$0xFFFFFFF0] =	vst v10;
	v6 =	vadd.f32 v6, v0;
	(pc) =	sbr.rel @p1 .LBB2_5-.Ltmp1, $4  }
0x16e: {  	v8 =	vmax.f32 v8, $0.0e+00;
	[tilespmem:s23+$0x50] =	vst v11;
	v0 =	vld [tilespmem:s23+$0x70]  }
0x16f: {  	[tilespmem:s23+$0xFFFFFF50] =	vst v8;
	v8 =	vld [tilespmem:s21+$0x60];
	v10 =	vadd.f32 v14, v9;
	v6 =	vmax.f32 v6, $0.0e+00  }
0x170: {  	v9 =	vld [tilespmem:s21+$0xFFFFFF60];
	[tilespmem:s24+$0x70] =	vst v6;
	s24 =	smov.u32 s23  }
0x171: {  	s23 =	sadd.s32 $0x200, s23;
	v10 =	vmax.f32 v10, $0.0e+00;
	v6 =	vld [tilespmem:s24+$0xF0]  }
0x172: {  	_ = 	snop  }
0x173: {  	v4 =	vadd.f32 v7, v4  }
0x174: {  	v5 =	vadd.f32 v8, v5  }
0x175: {  	[tilespmem:s24+$0xE0] =	vst v10;
	v4 =	vmax.f32 v4, $0.0e+00;
	v3 =	vadd.f32 v9, v3  }
0x176: {  	v58 =	vld [tilespmem:s10+$0xF0];
	[tilespmem:s24+$0xFFFFFFE0] =	vst v4;
	v59 =	vmax.f32 v5, $0.0e+00  }
0x177: {  	v61 =	vld [tilespmem:s10+$0xFFFFFFF0];
	v3 =	vmax.f32 v3, $0.0e+00;
	[tilespmem:s24+$0x60] =	vst v59  }
0x178: {  	[tilespmem:s24+$0xFFFFFF60] =	vst v3;
	v62 =	vld [tilespmem:s10+$0x70]  }
0x179: {  	v60 =	vld [tilespmem:s10+$0xFFFFFF70];
	_ =	sdelay $0x1  }
0x17a: {  	v6 =	vadd.f32 v58, v6  }
0x17b: {  	v1 =	vadd.f32 v61, v1  }
0x17c: {  	v63 =	vmax.f32 v6, $0.0e+00;
	v0 =	vadd.f32 v62, v0  }
0x17d: {  	[tilespmem:s24+$0xF0] =	vst v63;
	v1 =	vmax.f32 v1, $0.0e+00;
	v2 =	vadd.f32 v60, v2  }
0x17e: {  	[tilespmem:s24+$0xFFFFFFF0] =	vst v1;
	v0 =	vmax.f32 v0, $0.0e+00  }
0x17f: {  	s13 =	sadd.s32 $0x1, s13;
	v2 =	vmax.f32 v2, $0.0e+00;
	[tilespmem:s24+$0x70] =	vst v0  }
0x180: {  	p1 =	sne.s32 s13, $0x9C;
	[tilespmem:s24+$0xFFFFFF70] =	vst v2  }
0x181: {  	[spmem:s1] =	stream.indirect.scatter.add.f32 [tilespmem:s12], [sflag:$0x7], $0x80, s20, s3, $0xb8;
	[tilespmem:$0x1BAC0] =	vst v63  }
.Ltmp2:
0x182: {  	s25 =	sadd.s32 s22, s26;
	(pc) =	sbr.rel @p1 .LBB2_2-.Ltmp2, $4  }
0x183: {  	s10 =	sshll.u32 s25, $0x5;
	_ =	swait.ge [sflag:s29], $0x2000  }
0x184: {  	s10 =	sand.u32 $0x1FFFFFE0, s10;
	[sflag:s29] =	ssyncset.done $0x0  }
0x185: {  	s10 =	sadd.s32 s6, s10;
	[sflag:s29] =	ssyncadd.s32 $0xFFFFE000  }
0x186: {  	[tilespmem:s30], [sflag:$0x2] =	stream.linear.gather [hbm4b:s10+s2], $0x100, $0x38;
	[tilespmem:$0x1BAC0] =	vst v63  }
0x187: {  	_ =	swait.ge [sflag:s15], $0x2000  }
0x188: {  	[sflag:s15] =	ssyncset.done $0x0  }
0x189: {  	[sflag:s15] =	ssyncadd.s32 $0xFFFFE000  }
0x18a: {  	_ =	swait.ge [sflag:s16], $0x2000  }
0x18b: {  	[sflag:s16] =	ssyncset.done $0x0  }
0x18c: {  	s13 =	simm.s32 $0x300;
	[sflag:s16] =	ssyncadd.s32 $0xFFFFE000  }
0x18d: {  	s10 =	simm.s32 $0x4300;
	v0 =	vld [tilespmem:s13+$0x80]  }
0x18e: {  	v1 =	vld [tilespmem:s10+$0x80]  }
0x18f: {  	v2 =	vld [tilespmem:s10+$0xFFFFFF00]  }
0x190: {  	v3 =	vld [tilespmem:s13+$0xFFFFFF80]  }
0x191: {  	v4 =	vld [tilespmem:s10+$0xFFFFFF80]  }
0x192: {  	v5 =	vld [tilespmem:s10+$0x0]  }
0x193: {  	v0 =	vadd.f32 v1, v0;
	v1 =	vld [tilespmem:s13+$0x0]  }
0x194: {  	v6 =	vld [tilespmem:s13+$0xFFFFFF00]  }
0x195: {  	v0 =	vmax.f32 v0, $0.0e+00  }
0x196: {  	v3 =	vadd.f32 v4, v3;
	[tilespmem:s13+$0x80] =	vst v0;
	v0 =	vld [tilespmem:s13+$0x90]  }
0x197: {  	v7 =	vld [tilespmem:s10+$0x90]  }
0x198: {  	v8 =	vld [tilespmem:s13+$0xFFFFFF90];
	v3 =	vmax.f32 v3, $0.0e+00;
	v1 =	vadd.f32 v5, v1  }
0x199: {  	v4 =	vld [tilespmem:s13+$0xFFFFFF10];
	v2 =	vadd.f32 v2, v6;
	[tilespmem:s13+$0xFFFFFF80] =	vst v3  }
0x19a: {  	v5 =	vld [tilespmem:s10+$0xFFFFFF90];
	v1 =	vmax.f32 v1, $0.0e+00  }
0x19b: {  	v2 =	vmax.f32 v2, $0.0e+00;
	v3 =	vld [tilespmem:s13+$0x10];
	[tilespmem:s13+$0x0] =	vst v1  }
0x19c: {  	[tilespmem:s13+$0xFFFFFF00] =	vst v2;
	v0 =	vadd.f32 v7, v0;
	v1 =	vld [tilespmem:s10+$0x10]  }
0x19d: {  	v2 =	vld [tilespmem:s10+$0xFFFFFF10]  }
0x19e: {  	v0 =	vmax.f32 v0, $0.0e+00  }
0x19f: {  	v5 =	vadd.f32 v5, v8;
	[tilespmem:s13+$0x90] =	vst v0;
	v0 =	vld [tilespmem:s13+$0xA0]  }
0x1a0: {  	v7 =	vld [tilespmem:s10+$0xA0]  }
0x1a1: {  	v6 =	vld [tilespmem:s13+$0xFFFFFF20];
	v5 =	vmax.f32 v5, $0.0e+00;
	v1 =	vadd.f32 v1, v3  }
0x1a2: {  	v2 =	vadd.f32 v2, v4;
	v8 =	vld [tilespmem:s13+$0xFFFFFFA0];
	[tilespmem:s13+$0xFFFFFF90] =	vst v5  }
0x1a3: {  	v4 =	vld [tilespmem:s10+$0xFFFFFFA0];
	v1 =	vmax.f32 v1, $0.0e+00  }
0x1a4: {  	v2 =	vmax.f32 v2, $0.0e+00;
	v3 =	vld [tilespmem:s13+$0x20];
	[tilespmem:s13+$0x10] =	vst v1  }
0x1a5: {  	[tilespmem:s13+$0xFFFFFF10] =	vst v2;
	v0 =	vadd.f32 v7, v0;
	v1 =	vld [tilespmem:s10+$0x20]  }
0x1a6: {  	v2 =	vld [tilespmem:s10+$0xFFFFFF20]  }
0x1a7: {  	v0 =	vmax.f32 v0, $0.0e+00  }
0x1a8: {  	v4 =	vadd.f32 v4, v8;
	[tilespmem:s13+$0xA0] =	vst v0;
	v0 =	vld [tilespmem:s13+$0xB0]  }
0x1a9: {  	v7 =	vld [tilespmem:s10+$0xB0]  }
0x1aa: {  	v9 =	vld [tilespmem:s13+$0x30];
	v4 =	vmax.f32 v4, $0.0e+00;
	v1 =	vadd.f32 v1, v3  }
0x1ab: {  	v2 =	vadd.f32 v2, v6;
	v8 =	vld [tilespmem:s13+$0xFFFFFFB0];
	[tilespmem:s13+$0xFFFFFFA0] =	vst v4  }
0x1ac: {  	v3 =	vld [tilespmem:s10+$0xFFFFFFB0];
	v1 =	vmax.f32 v1, $0.0e+00  }
0x1ad: {  	v5 =	vld [tilespmem:s13+$0xFFFFFF30];
	[tilespmem:s13+$0x20] =	vst v1;
	v1 =	vmax.f32 v2, $0.0e+00  }
0x1ae: {  	v0 =	vadd.f32 v7, v0;
	[tilespmem:s13+$0xFFFFFF20] =	vst v1;
	v1 =	vld [tilespmem:s10+$0x30]  }
0x1af: {  	v6 =	vld [tilespmem:s10+$0xFFFFFF30]  }
0x1b0: {  	v10 =	vld [tilespmem:s13+$0xFFFFFF40];
	v0 =	vmax.f32 v0, $0.0e+00  }
0x1b1: {  	v3 =	vadd.f32 v3, v8;
	[tilespmem:s13+$0xB0] =	vst v0;
	v0 =	vld [tilespmem:s13+$0xC0]  }
0x1b2: {  	v7 =	vld [tilespmem:s10+$0xC0]  }
0x1b3: {  	v11 =	vld [tilespmem:s13+$0xFFFFFFD0];
	v3 =	vmax.f32 v3, $0.0e+00;
	v1 =	vadd.f32 v1, v9  }
0x1b4: {  	v4 =	vld [tilespmem:s13+$0xFFFFFFC0];
	[tilespmem:s13+$0xFFFFFFB0] =	vst v3;
	v5 =	vadd.f32 v6, v5  }
0x1b5: {  	v6 =	vld [tilespmem:s10+$0xFFFFFFC0];
	v1 =	vmax.f32 v1, $0.0e+00  }
0x1b6: {  	v2 =	vld [tilespmem:s13+$0x40];
	[tilespmem:s13+$0x30] =	vst v1;
	v1 =	vmax.f32 v5, $0.0e+00  }
0x1b7: {  	v0 =	vadd.f32 v7, v0;
	v5 =	vld [tilespmem:s10+$0x40];
	[tilespmem:s13+$0xFFFFFF30] =	vst v1  }
0x1b8: {  	v1 =	vld [tilespmem:s10+$0xFFFFFF40]  }
0x1b9: {  	v8 =	vld [tilespmem:s13+$0xFFFFFF50];
	v0 =	vmax.f32 v0, $0.0e+00  }
0x1ba: {  	[tilespmem:s13+$0xC0] =	vst v0;
	v0 =	vadd.f32 v6, v4;
	v6 =	vld [tilespmem:s13+$0xD0]  }
0x1bb: {  	v7 =	vld [tilespmem:s10+$0xD0]  }
0x1bc: {  	v3 =	vld [tilespmem:s13+$0xFFFFFF60];
	v0 =	vmax.f32 v0, $0.0e+00;
	v2 =	vadd.f32 v5, v2  }
0x1bd: {  	v9 =	vld [tilespmem:s13+$0x50];
	[tilespmem:s13+$0xFFFFFFC0] =	vst v0;
	v0 =	vadd.f32 v1, v10  }
0x1be: {  	v1 =	vld [tilespmem:s10+$0xFFFFFFD0];
	v2 =	vmax.f32 v2, $0.0e+00  }
0x1bf: {  	v4 =	vld [tilespmem:s13+$0xFFFFFFE0];
	[tilespmem:s13+$0x40] =	vst v2;
	v0 =	vmax.f32 v0, $0.0e+00  }
0x1c0: {  	v2 =	vld [tilespmem:s10+$0x50];
	v6 =	vadd.f32 v7, v6;
	[tilespmem:s13+$0xFFFFFF40] =	vst v0  }
0x1c1: {  	v0 =	vld [tilespmem:s10+$0xFFFFFF50]  }
0x1c2: {  	v5 =	vld [tilespmem:s13+$0x60];
	v6 =	vmax.f32 v6, $0.0e+00  }
0x1c3: {  	v1 =	vadd.f32 v1, v11;
	[tilespmem:s13+$0xD0] =	vst v6;
	v6 =	vld [tilespmem:s13+$0xE0]  }
0x1c4: {  	v10 =	vld [tilespmem:s10+$0xE0]  }
0x1c5: {  	v1 =	vmax.f32 v1, $0.0e+00;
	v7 =	vadd.f32 v2, v9;
	v2 =	vld [tilespmem:s13+$0xFFFFFF70]  }
0x1c6: {  	[tilespmem:s13+$0xFFFFFFD0] =	vst v1;
	v0 =	vadd.f32 v0, v8;
	v1 =	vld [tilespmem:s13+$0xFFFFFFF0]  }
0x1c7: {  	v8 =	vmax.f32 v7, $0.0e+00;
	v7 =	vld [tilespmem:s10+$0xFFFFFFE0]  }
0x1c8: {  	[tilespmem:s13+$0x50] =	vst v8;
	v8 =	vmax.f32 v0, $0.0e+00;
	v0 =	vld [tilespmem:s13+$0x70]  }
0x1c9: {  	[tilespmem:s13+$0xFFFFFF50] =	vst v8;
	v8 =	vld [tilespmem:s10+$0x60];
	v6 =	vadd.f32 v10, v6  }
0x1ca: {  	v9 =	vld [tilespmem:s10+$0xFFFFFF60]  }
0x1cb: {  	s22 =	simm.s32 $0x0;
	s23 =	simm.s32 $0x500;
	s21 =	simm.s32 $0x4300;
	v10 =	vmax.f32 v6, $0.0e+00;
	v6 =	vld [tilespmem:s13+$0xF0]  }
.LBB2_8:
0x1cc: {  	v11 =	vld [tilespmem:s23+$0x80];
	v4 =	vadd.f32 v7, v4;
	[tilespmem:s13+$0xE0] =	vst v10  }
0x1cd: {  	s21 =	sadd.s32 $0x200, s21;
	v7 =	vld [tilespmem:s10+$0xF0]  }
0x1ce: {  	s22 =	sadd.s32 $0x4, s22;
	v10 =	vld [tilespmem:s21+$0x80];
	v4 =	vmax.f32 v4, $0.0e+00;
	v5 =	vadd.f32 v8, v5  }
0x1cf: {  	p1 =	slt.u32 s22, $0x3C;
	v8 =	vld [tilespmem:s21+$0xFFFFFF00];
	v3 =	vadd.f32 v9, v3;
	[tilespmem:s13+$0xFFFFFFE0] =	vst v4  }
0x1d0: {  	v4 =	vld [tilespmem:s23+$0xFFFFFF80];
	v5 =	vmax.f32 v5, $0.0e+00  }
0x1d1: {  	v9 =	vld [tilespmem:s21+$0xFFFFFF80];
	v3 =	vmax.f32 v3, $0.0e+00;
	[tilespmem:s13+$0x60] =	vst v5  }
0x1d2: {  	v5 =	vld [tilespmem:s23+$0x0];
	[tilespmem:s13+$0xFFFFFF60] =	vst v3;
	v3 =	vadd.f32 v7, v6  }
0x1d3: {  	v6 =	vld [tilespmem:s21+$0x0];
	v7 =	vadd.f32 v10, v11  }
0x1d4: {  	v10 =	vld [tilespmem:s23+$0xFFFFFF00];
	v3 =	vmax.f32 v3, $0.0e+00  }
0x1d5: {  	v11 =	vld [tilespmem:s23+$0xFFFFFF10];
	v7 =	vmax.f32 v7, $0.0e+00;
	[tilespmem:s13+$0xF0] =	vst v3  }
0x1d6: {  	v3 =	vadd.f32 v9, v4;
	[tilespmem:s23+$0x80] =	vst v7;
	v4 =	vld [tilespmem:s23+$0x90]  }
0x1d7: {  	v7 =	vld [tilespmem:s21+$0x90]  }
0x1d8: {  	v3 =	vmax.f32 v3, $0.0e+00;
	v9 =	vld [tilespmem:s23+$0xFFFFFF90];
	v5 =	vadd.f32 v6, v5  }
0x1d9: {  	v6 =	vadd.f32 v8, v10;
	[tilespmem:s23+$0xFFFFFF80] =	vst v3;
	v3 =	vld [tilespmem:s23+$0x10]  }
0x1da: {  	v8 =	vld [tilespmem:s21+$0xFFFFFF90];
	v5 =	vmax.f32 v5, $0.0e+00  }
0x1db: {  	v6 =	vmax.f32 v6, $0.0e+00;
	v10 =	vld [tilespmem:s23+$0xFFFFFF20];
	[tilespmem:s23+$0x0] =	vst v5  }
0x1dc: {  	[tilespmem:s23+$0xFFFFFF00] =	vst v6;
	v5 =	vld [tilespmem:s21+$0x10];
	v4 =	vadd.f32 v7, v4  }
0x1dd: {  	v6 =	vld [tilespmem:s21+$0xFFFFFF10]  }
0x1de: {  	v7 =	vld [tilespmem:s23+$0xFFFFFFA0];
	v4 =	vmax.f32 v4, $0.0e+00  }
0x1df: {  	v8 =	vadd.f32 v8, v9;
	[tilespmem:s23+$0x90] =	vst v4;
	v4 =	vld [tilespmem:s23+$0xA0]  }
0x1e0: {  	v9 =	vld [tilespmem:s21+$0xA0]  }
0x1e1: {  	v8 =	vmax.f32 v8, $0.0e+00;
	v3 =	vadd.f32 v5, v3;
	v5 =	vld [tilespmem:s23+$0x20]  }
0x1e2: {  	v6 =	vadd.f32 v6, v11;
	v11 =	vld [tilespmem:s23+$0xFFFFFF30];
	[tilespmem:s23+$0xFFFFFF90] =	vst v8  }
0x1e3: {  	v8 =	vld [tilespmem:s21+$0xFFFFFFA0];
	v3 =	vmax.f32 v3, $0.0e+00  }
0x1e4: {  	v6 =	vmax.f32 v6, $0.0e+00;
	v12 =	vld [tilespmem:s23+$0xFFFFFFB0];
	[tilespmem:s23+$0x10] =	vst v3  }
0x1e5: {  	[tilespmem:s23+$0xFFFFFF10] =	vst v6;
	v3 =	vld [tilespmem:s21+$0x20];
	v4 =	vadd.f32 v9, v4  }
0x1e6: {  	v6 =	vld [tilespmem:s21+$0xFFFFFF20]  }
0x1e7: {  	v9 =	vld [tilespmem:s23+$0x30];
	v4 =	vmax.f32 v4, $0.0e+00  }
0x1e8: {  	v7 =	vadd.f32 v8, v7;
	[tilespmem:s23+$0xA0] =	vst v4;
	v4 =	vld [tilespmem:s23+$0xB0]  }
0x1e9: {  	v8 =	vld [tilespmem:s21+$0xB0]  }
0x1ea: {  	v13 =	vld [tilespmem:s23+$0xFFFFFF40];
	v7 =	vmax.f32 v7, $0.0e+00;
	v3 =	vadd.f32 v3, v5  }
0x1eb: {  	v5 =	vadd.f32 v6, v10;
	[tilespmem:s23+$0xFFFFFFA0] =	vst v7;
	v6 =	vld [tilespmem:s23+$0xFFFFFFC0]  }
0x1ec: {  	v7 =	vld [tilespmem:s21+$0xFFFFFFB0];
	v3 =	vmax.f32 v3, $0.0e+00  }
0x1ed: {  	v5 =	vmax.f32 v5, $0.0e+00;
	[tilespmem:s23+$0x20] =	vst v3;
	v10 =	vld [tilespmem:s23+$0x40]  }
0x1ee: {  	[tilespmem:s23+$0xFFFFFF20] =	vst v5;
	v3 =	vld [tilespmem:s21+$0x30];
	v4 =	vadd.f32 v8, v4  }
0x1ef: {  	v5 =	vld [tilespmem:s21+$0xFFFFFF30]  }
0x1f0: {  	v8 =	vld [tilespmem:s23+$0xFFFFFF50];
	v4 =	vmax.f32 v4, $0.0e+00  }
0x1f1: {  	v7 =	vadd.f32 v7, v12;
	[tilespmem:s23+$0xB0] =	vst v4;
	v4 =	vld [tilespmem:s23+$0xC0]  }
0x1f2: {  	v12 =	vld [tilespmem:s21+$0xC0]  }
0x1f3: {  	v7 =	vmax.f32 v7, $0.0e+00;
	v14 =	vld [tilespmem:s23+$0xFFFFFFD0];
	v3 =	vadd.f32 v3, v9  }
0x1f4: {  	v5 =	vadd.f32 v5, v11;
	[tilespmem:s23+$0xFFFFFFB0] =	vst v7;
	v7 =	vld [tilespmem:s23+$0x50]  }
0x1f5: {  	v9 =	vld [tilespmem:s21+$0xFFFFFFC0];
	v11 =	vmax.f32 v3, $0.0e+00  }
0x1f6: {  	v5 =	vmax.f32 v5, $0.0e+00;
	v3 =	vld [tilespmem:s23+$0xFFFFFF60];
	[tilespmem:s23+$0x30] =	vst v11  }
0x1f7: {  	[tilespmem:s23+$0xFFFFFF30] =	vst v5;
	v5 =	vld [tilespmem:s21+$0x40];
	v11 =	vadd.f32 v12, v4  }
0x1f8: {  	v12 =	vld [tilespmem:s21+$0xFFFFFF40]  }
0x1f9: {  	v4 =	vld [tilespmem:s23+$0xFFFFFFE0];
	v11 =	vmax.f32 v11, $0.0e+00  }
0x1fa: {  	v6 =	vadd.f32 v9, v6;
	[tilespmem:s23+$0xC0] =	vst v11;
	v9 =	vld [tilespmem:s23+$0xD0]  }
0x1fb: {  	v11 =	vld [tilespmem:s21+$0xD0]  }
0x1fc: {  	v6 =	vmax.f32 v6, $0.0e+00;
	v10 =	vadd.f32 v5, v10;
	v5 =	vld [tilespmem:s23+$0x60]  }
0x1fd: {  	v12 =	vadd.f32 v12, v13;
	[tilespmem:s23+$0xFFFFFFC0] =	vst v6;
	v6 =	vld [tilespmem:s10+$0xFFFFFF70]  }
0x1fe: {  	v13 =	vld [tilespmem:s21+$0xFFFFFFD0];
	v10 =	vmax.f32 v10, $0.0e+00  }
0x1ff: {  	v12 =	vmax.f32 v12, $0.0e+00;
	[tilespmem:s23+$0x40] =	vst v10;
	v10 =	vld [tilespmem:s10+$0xFFFFFFF0]  }
0x200: {  	[tilespmem:s23+$0xFFFFFF40] =	vst v12;
	v12 =	vld [tilespmem:s21+$0x50];
	v9 =	vadd.f32 v11, v9  }
0x201: {  	v11 =	vld [tilespmem:s21+$0xFFFFFF50]  }
0x202: {  	v9 =	vmax.f32 v9, $0.0e+00;
	v2 =	vadd.f32 v6, v2;
	v6 =	vld [tilespmem:s10+$0x70];
	s10 =	smov.u32 s21  }
0x203: {  	v13 =	vadd.f32 v13, v14;
	[tilespmem:s23+$0xD0] =	vst v9;
	v9 =	vld [tilespmem:s23+$0xE0]  }
0x204: {  	v14 =	vld [tilespmem:s21+$0xE0];
	v15 =	vmax.f32 v2, $0.0e+00;
	v10 =	vadd.f32 v10, v1  }
0x205: {  	v2 =	vld [tilespmem:s23+$0xFFFFFF70];
	v1 =	vmax.f32 v13, $0.0e+00;
	v12 =	vadd.f32 v12, v7;
	[tilespmem:s13+$0xFFFFFF70] =	vst v15  }
0x206: {  	v8 =	vadd.f32 v11, v8;
	[tilespmem:s23+$0xFFFFFFD0] =	vst v1;
	v1 =	vld [tilespmem:s23+$0xFFFFFFF0];
	v10 =	vmax.f32 v10, $0.0e+00  }
.Ltmp3:
0x207: {  	v7 =	vld [tilespmem:s21+$0xFFFFFFE0];
	v11 =	vmax.f32 v12, $0.0e+00;
	[tilespmem:s13+$0xFFFFFFF0] =	vst v10;
	v6 =	vadd.f32 v6, v0;
	(pc) =	sbr.rel @p1 .LBB2_8-.Ltmp3, $4  }
0x208: {  	v8 =	vmax.f32 v8, $0.0e+00;
	[tilespmem:s23+$0x50] =	vst v11;
	v0 =	vld [tilespmem:s23+$0x70]  }
0x209: {  	[tilespmem:s23+$0xFFFFFF50] =	vst v8;
	v8 =	vld [tilespmem:s21+$0x60];
	v10 =	vadd.f32 v14, v9;
	v6 =	vmax.f32 v6, $0.0e+00  }
0x20a: {  	v9 =	vld [tilespmem:s21+$0xFFFFFF60];
	[tilespmem:s13+$0x70] =	vst v6;
	s13 =	smov.u32 s23  }
0x20b: {  	s23 =	sadd.s32 $0x200, s23;
	v10 =	vmax.f32 v10, $0.0e+00;
	v6 =	vld [tilespmem:s13+$0xF0]  }
0x20c: {  	_ = 	snop  }
0x20d: {  	v4 =	vadd.f32 v7, v4  }
0x20e: {  	v5 =	vadd.f32 v8, v5  }
0x20f: {  	[tilespmem:s13+$0xE0] =	vst v10;
	v4 =	vmax.f32 v4, $0.0e+00;
	v3 =	vadd.f32 v9, v3  }
0x210: {  	v58 =	vld [tilespmem:s10+$0xF0];
	[tilespmem:s13+$0xFFFFFFE0] =	vst v4;
	v59 =	vmax.f32 v5, $0.0e+00  }
0x211: {  	v61 =	vld [tilespmem:s10+$0xFFFFFFF0];
	v3 =	vmax.f32 v3, $0.0e+00;
	[tilespmem:s13+$0x60] =	vst v59  }
0x212: {  	[tilespmem:s13+$0xFFFFFF60] =	vst v3;
	v62 =	vld [tilespmem:s10+$0x70]  }
0x213: {  	v60 =	vld [tilespmem:s10+$0xFFFFFF70];
	_ =	sdelay $0x1  }
0x214: {  	v6 =	vadd.f32 v58, v6  }
0x215: {  	v1 =	vadd.f32 v61, v1  }
0x216: {  	v63 =	vmax.f32 v6, $0.0e+00;
	v0 =	vadd.f32 v62, v0  }
0x217: {  	[tilespmem:s13+$0xF0] =	vst v63;
	v1 =	vmax.f32 v1, $0.0e+00;
	v2 =	vadd.f32 v60, v2  }
0x218: {  	[tilespmem:s13+$0xFFFFFFF0] =	vst v1;
	v0 =	vmax.f32 v0, $0.0e+00  }
0x219: {  	v2 =	vmax.f32 v2, $0.0e+00;
	[tilespmem:s13+$0x70] =	vst v0  }
0x21a: {  	[tilespmem:s13+$0xFFFFFF70] =	vst v2  }
0x21b: {  	[spmem:s1] =	stream.indirect.scatter.add.f32 [tilespmem:s0], [sflag:$0x7], $0x80, s17, s3, $0xb8;
	[tilespmem:$0x1BAC0] =	vst v63  }
0x21c: {  	_ =	swait.ge [sflag:s29], $0x2000  }
0x21d: {  	[sflag:s29] =	ssyncset.done $0x0  }
0x21e: {  	[sflag:s29] =	ssyncadd.s32 $0xFFFFE000  }
0x21f: {  	_ =	swait.ge [sflag:s8], $0x100  }
0x220: {  	[sflag:s8] =	ssyncset.done $0x0  }
0x221: {  	[sflag:s8] =	ssyncadd.s32 $0xFFFFFF00  }
0x222: {  	[bflag:$0x0] =	sbarrier.arrive $0xFFFF  }
0x223: {  	s22 =	rddreg [dreg:$0xe]  }
0x224: {  	s21 =	rddreg [dreg:$0x11]  }
0x225: {  	s23 =	rddreg [dreg:$0x15]  }
0x226: {  	[hbm:s22], [sflag:s21] =	dma.local [spmem:s23], $0xD00  }
0x227: {  	_ =	swait.ge [sflag:s29], $0xD00  }
0x228: {  	[sflag:s29] =	ssyncset.done $0x0;
	s24 =	rddreg [dreg:$0xf]  }
0x229: {  	s25 =	rddreg [dreg:$0x16];
	[sflag:s29] =	ssyncadd.s32 $0xFFFFF300  }
0x22a: {  	[hbm:s24], [sflag:s21] =	dma.local [spmem:s25], $0xD00  }
0x22b: {  	_ =	swait.ge [sflag:s29], $0xD00  }
0x22c: {  	[sflag:s29] =	ssyncset.done $0x0;
	s22 =	rddreg [dreg:$0x10]  }
0x22d: {  	s23 =	rddreg [dreg:$0x17];
	[sflag:s29] =	ssyncadd.s32 $0xFFFFF300  }
0x22e: {  	[hbm:s22], [sflag:s21] =	dma.local [spmem:s23], $0xD00  }
0x22f: {  	_ =	swait.ge [sflag:s29], $0xD00  }
0x230: {  	[sflag:s29] =	ssyncset.done $0x0;
	s13 =	rddreg [dreg:$0x8]  }
0x231: {  	s10 =	simm.s32 @!p0 $0x1FC7;
	s22 =	rddreg [dreg:$0x18];
	[sflag:s29] =	ssyncadd.s32 $0xFFFFF300  }
0x232: {  	[hbm:s13], [sflag:s10] =	dma.local @!p0 [spmem:s22], $0x100  }
0x233: {  	s10 =	simm.s32 @!p0 $0x7  }
0x234: {  	_ =	swait.ge @!p0 [sflag:s10], $0x100  }
0x235: {  	s24 =	rddreg [dreg:$0x14]  }
0x236: {  	s25 =	rddreg [dreg:$0x9];
	s22 =	sadd.s32 $0x1, s24  }
0x237: {  	p1 =	sne.s32 s22, s25  }
.Ltmp4:
0x238: {  	_ = 	snop;
	(pc) =	sbr.rel @p1 .LBB2_1-.Ltmp4, $3  }
0x239: {  	_ =	sdelay $0x1  }
0x23a: {  	[sflag:s10] =	ssyncset.done @!p0 $0x0  }
0x23b: {  	[sflag:s10] =	ssyncadd.s32 @!p0 $0xFFFFFF00  }
0x23c: {  	_ =	sfence.sel $0x180000  }
0x23d: {  	[bflag:$0x0] =	sbarrier.arrive $0xFFFF  }
0x23e: {  	_ =	strace $0x90000047  }
0x23f: {  	s0 =	stileid.u32;
	[bflag:$0x2] =	sbarrier.arrive $0xFFFF  }
0x240: {  	p0 =	sne.s32 s0, $0x0;
	s0 =	rddreg [dreg:$0x2]  }
0x241: {  	s0 =	sadd.s32 @!p0 $0x100000, s0  }
0x242: {  	[sflag:s0] =	ssyncadd.tile.s32 @!p0 $0x1;
	_ =	shalt  }
.Lfunc_end2:
_tile_overlayer_lowered:
.L_overlay_start_2:
0x243: {  	(tag) =	ssettag $0x2  }
0x244: {  	s0 =	rddreg [dreg:$0x0];
	s2 =	stileid.u32  }
0x245: {  	s1 =	rddreg [dreg:$0x1];
	p0 =	sne.s32 s2, $0x0  }
0x246: {  	s3 =	rddreg [dreg:$0x2];
	[bflag:$0x3] =	sbarrier.arrive $0xFFFF;
	s2 =	simm.s32 @!p0 $0x1C07  }
0x247: {  	[timem:s3], [sflag:s2] =	dma.local @!p0 [hbm:s0], s1  }
0x248: {  	s0 =	simm.s32 @!p0 $0x7  }
0x249: {  	_ =	swait.ge @!p0 [sflag:s0], s1  }
0x24a: {  	s1 =	ssub.s32 @!p0 $0x0, s1;
	[sflag:s0] =	ssyncset.done @!p0 $0x0  }
0x24b: {  	[sflag:s0] =	ssyncadd.s32 @!p0 s1  }
0x24c: {  	[bflag:$0x3] =	sbarrier.arrive $0xFFFF  }
0x24d: {  	_ =	shalt  }

</sc_bundles>
